<compile_context>
chip_gen: v7x
topology: tpu7x:2x2x1
jax: 0.10.2.dev20260603
libtpu: 0.0.44.dev20260713+nightly
codegen_flags: <defaults>
</compile_context>

<pallas_src>
import functools

import jax
import jax.numpy as jnp
from jax import lax
from jax.experimental import pallas as pl
from jax.experimental.pallas import tpu as pltpu
from jax.experimental.pallas import tpu_sc as plsc

B = 16384
D = 64
V = 10000
NC = 2
NS = 16
FW = 4
NFW = D // FW
NH = 2
HB = B // NH
CHB = 2048
NCHB = HB // CHB
L = 16

_mesh = plsc.VectorSubcoreMesh(core_axis_name="c", subcore_axis_name="s")


@functools.partial(
    pl.kernel,
    mesh=_mesh,
    out_type=jax.ShapeDtypeStruct((D, B), jnp.float32),
    scratch_types=[
        pltpu.VMEM((HB,), jnp.int32),
        pltpu.VMEM((FW, V), jnp.float32),
        pltpu.VMEM((2, FW, CHB), jnp.float32),
        pltpu.SemaphoreType.DMA,
        pltpu.SemaphoreType.DMA,
        pltpu.SemaphoreType.DMA((2,)),
    ],
    compiler_params=pltpu.CompilerParams(needs_layout_passes=False),
)
def _gather_fm(idxT_hbm, tableT_hbm, outT_hbm, idx_v, tab_v, out_v,
               isem, tsem, ssem):
    wid = lax.axis_index("s") * NC + lax.axis_index("c")
    f0 = (wid % NFW) * FW
    b0 = (wid // NFW) * HB
    c_idx = pltpu.async_copy(idxT_hbm.at[0, pl.ds(b0, HB)], idx_v, isem)
    c_tab = pltpu.async_copy(tableT_hbm.at[pl.ds(f0, FW), :], tab_v, tsem)
    c_idx.wait()
    c_tab.wait()
    stores = [None, None]
    for ch in range(NCHB):
        buf = ch % 2
        if stores[buf] is not None:
            stores[buf].wait()

        @plsc.parallel_loop(0, CHB, step=L)
        def _body(i, _ch=ch, _buf=buf):
            iv = idx_v[pl.ds(_ch * CHB + i, L)]
            for f in range(FW):
                vals = plsc.load_gather(
                    tab_v, [jnp.full((L,), f, jnp.int32), iv])
                out_v[_buf, f, pl.ds(i, L)] = vals

        stores[buf] = pltpu.async_copy(
            out_v.at[buf],
            outT_hbm.at[pl.ds(f0, FW), pl.ds(b0 + ch * CHB, CHB)],
            ssem.at[buf],
        )
    for s in stores:
        if s is not None:
            s.wait()


def kernel(inputs, bias):
    outT = _gather_fm(inputs.T.astype(jnp.int32), bias.T)
    return outT.T

# --- scband reference (transcript-rebuilt; emitter-appended) ---
"""Pipeline reference for scband-user-factors-31894427140671 (READ-ONLY COPY).

The authoritative reference and input builder live on the scoring server;
editing this copy changes nothing except your own understanding.
"""

import jax, jax.numpy as jnp
import numpy as np


def setup_inputs(seed: int = 0) -> dict:
    key = jax.random.key(seed)
    k1, k2 = jax.random.split(key)
    inputs = jax.random.randint(k1, (16384, 1), 0, 10000, dtype=jnp.int64)
    bias = jax.random.normal(k2, (10000, 64), dtype=jnp.float32) * 0.02
    return {"inputs": inputs, "bias": bias}


def reference(inputs, bias):
    # tf.gather(self.bias, inputs[:, 0])
    idx = inputs[:, 0]
    biases = jnp.take(bias, idx, axis=0)
    return biases

if __name__ == "__main__":
    import jax
    _d = setup_inputs()
    print(jax.jit(kernel)(*tuple(_d.values())))

</pallas_src>

<mosaic_0001>
#map = affine_map<(d0, d1) -> (0, 0)>
module attributes {stable_mosaic.version = 14 : i64} {
  func.func @_gather_fm(%arg0: i32, %arg1: i32, %arg2: memref<1x16384xi32, #tpu.memory_space<hbm>>, %arg3: memref<64x10000xf32, #tpu.memory_space<hbm>>, %arg4: memref<64x16384xf32, #tpu.memory_space<hbm>>, %arg5: memref<8192xi32, #tpu.memory_space<vmem>>, %arg6: memref<4x10000xf32, #tpu.memory_space<vmem>>, %arg7: memref<2x4x2048xf32, #tpu.memory_space<vmem>>, %arg8: memref<!tpu.dma_semaphore, #tpu.memory_space<semaphore_mem>>, %arg9: memref<!tpu.dma_semaphore, #tpu.memory_space<semaphore_mem>>, %arg10: memref<2x!tpu.dma_semaphore, #tpu.memory_space<semaphore_mem>>) attributes {dimension_semantics = [#tpu.dimension_semantics<core_parallel>, #tpu.dimension_semantics<subcore_parallel>], iteration_bounds = array<i64: 2, 16>, scalar_prefetch = 0 : i64, scratch_operands = 6 : i64, tpu.core_type = #tpu.core_type<sc_vector_subcore>, window_params = [{transform_indices = #map}, {transform_indices = #map}, {transform_indices = #map}]} {
    %mul3A = arith.constant 2 : i32
    %mul3A_0 = arith.muli %arg1, %mul3A : i32
    %add3A = arith.addi %mul3A_0, %arg0 : i32
    %jit3A = arith.constant 16 : i32
    %eq3A = arith.constant 0 : i32
    %eq3A_1 = arith.cmpi eq, %jit3A, %eq3A : i32
    %jit3A_2 = arith.constant 1 : i32
    %select_n3A = arith.select %eq3A_1, %jit3A_2, %jit3A : i32
    %rem3A = arith.remsi %add3A, %select_n3A : i32
    %ne3A = arith.constant 0 : i32
    %ne3A_3 = arith.cmpi ne, %rem3A, %ne3A : i32
    %lt3A = arith.constant 0 : i32
    %lt3A_4 = arith.cmpi slt, %rem3A, %lt3A : i32
    %lt3A_5 = arith.constant 0 : i32
    %lt3A_6 = arith.cmpi slt, %select_n3A, %lt3A_5 : i32
    %ne3A_7 = arith.xori %lt3A_4, %lt3A_6 : i1
    %and3A = arith.andi %ne3A_7, %ne3A_3 : i1
    %add3A_8 = arith.addi %rem3A, %select_n3A : i32
    %select_n3A_9 = arith.select %and3A, %add3A_8, %rem3A : i32
    %mul3A_10 = arith.constant 4 : i32
    %mul3A_11 = arith.muli %select_n3A_9, %mul3A_10 : i32
    %jit3A_12 = arith.constant 16 : i32
    %div3A = arith.divsi %add3A, %jit3A_12 : i32
    %sign3A = arith.constant 0 : i32
    %sign3A_13 = arith.cmpi sgt, %add3A, %sign3A : i32
    %sign3A_14 = arith.extui %sign3A_13 : i1 to i32
    %sign3A_15 = arith.constant 0 : i32
    %sign3A_16 = arith.cmpi slt, %add3A, %sign3A_15 : i32
    %sign3A_17 = arith.extui %sign3A_16 : i1 to i32
    %sign3A_18 = arith.subi %sign3A_14, %sign3A_17 : i32
    %sign3A_19 = arith.constant 0 : i32
    %sign3A_20 = arith.cmpi sgt, %jit3A_12, %sign3A_19 : i32
    %sign3A_21 = arith.extui %sign3A_20 : i1 to i32
    %sign3A_22 = arith.constant 0 : i32
    %sign3A_23 = arith.cmpi slt, %jit3A_12, %sign3A_22 : i32
    %sign3A_24 = arith.extui %sign3A_23 : i1 to i32
    %sign3A_25 = arith.subi %sign3A_21, %sign3A_24 : i32
    %ne3A_26 = arith.cmpi ne, %sign3A_18, %sign3A_25 : i32
    %rem3A_27 = arith.remsi %add3A, %jit3A_12 : i32
    %ne3A_28 = arith.constant 0 : i32
    %ne3A_29 = arith.cmpi ne, %rem3A_27, %ne3A_28 : i32
    %and3A_30 = arith.andi %ne3A_26, %ne3A_29 : i1
    %sub3A = arith.constant 1 : i32
    %sub3A_31 = arith.subi %div3A, %sub3A : i32
    %select_n3A_32 = arith.select %and3A_30, %sub3A_31, %div3A : i32
    %mul3A_33 = arith.constant 8192 : i32
    %mul3A_34 = arith.muli %select_n3A_32, %mul3A_33 : i32
    %dma_start3A = arith.constant 0 : i32
    %dma_start3A_35 = tpu.memref_slice %arg2[%dma_start3A, %mul3A_34] : memref<1x16384xi32, #tpu.memory_space<hbm>> -> memref<1x8192xi32, #tpu.memory_space<hbm>>
    %dma_start3A_36 = tpu.memref_squeeze %dma_start3A_35 : memref<1x8192xi32, #tpu.memory_space<hbm>> -> memref<8192xi32, #tpu.memory_space<hbm>>
    %dma_start3A_37 = tpu.memref_slice %arg2[%dma_start3A, %mul3A_34] : memref<1x16384xi32, #tpu.memory_space<hbm>> -> memref<1x8192xi32, #tpu.memory_space<hbm>>
    %dma_start3A_38 = tpu.memref_squeeze %dma_start3A_37 : memref<1x8192xi32, #tpu.memory_space<hbm>> -> memref<8192xi32, #tpu.memory_space<hbm>>
    tpu.enqueue_dma source(%dma_start3A_38 : memref<8192xi32, #tpu.memory_space<hbm>>) target(%arg5 : memref<8192xi32, #tpu.memory_space<vmem>>) target_semaphore(%arg8 : memref<!tpu.dma_semaphore, #tpu.memory_space<semaphore_mem>>)
    %dma_start3A_39 = arith.constant 0 : i32
    %dma_start3A_40 = tpu.memref_slice %arg3[%mul3A_11, %dma_start3A_39] : memref<64x10000xf32, #tpu.memory_space<hbm>> -> memref<4x10000xf32, #tpu.memory_space<hbm>>
    %dma_start3A_41 = arith.constant 0 : i32
    %dma_start3A_42 = tpu.memref_slice %arg3[%mul3A_11, %dma_start3A_41] : memref<64x10000xf32, #tpu.memory_space<hbm>> -> memref<4x10000xf32, #tpu.memory_space<hbm>>
    tpu.enqueue_dma source(%dma_start3A_42 : memref<4x10000xf32, #tpu.memory_space<hbm>>) target(%arg6 : memref<4x10000xf32, #tpu.memory_space<vmem>>) target_semaphore(%arg9 : memref<!tpu.dma_semaphore, #tpu.memory_space<semaphore_mem>>)
    %dma_wait3A = arith.constant 0 : i32
    %dma_wait3A_43 = tpu.memref_slice %arg2[%dma_wait3A, %mul3A_34] : memref<1x16384xi32, #tpu.memory_space<hbm>> -> memref<1x8192xi32, #tpu.memory_space<hbm>>
    %dma_wait3A_44 = tpu.memref_squeeze %dma_wait3A_43 : memref<1x8192xi32, #tpu.memory_space<hbm>> -> memref<8192xi32, #tpu.memory_space<hbm>>
    %dma_wait3A_45 = tpu.memref_slice %arg2[%dma_wait3A, %mul3A_34] : memref<1x16384xi32, #tpu.memory_space<hbm>> -> memref<1x8192xi32, #tpu.memory_space<hbm>>
    %dma_wait3A_46 = tpu.memref_squeeze %dma_wait3A_45 : memref<1x8192xi32, #tpu.memory_space<hbm>> -> memref<8192xi32, #tpu.memory_space<hbm>>
    tpu.wait_dma2 semaphore(%arg8 : memref<!tpu.dma_semaphore, #tpu.memory_space<semaphore_mem>>) src(%dma_wait3A_46 : memref<8192xi32, #tpu.memory_space<hbm>>) dst(%arg5 : memref<8192xi32, #tpu.memory_space<vmem>>)
    %dma_wait3A_47 = arith.constant 0 : i32
    %dma_wait3A_48 = tpu.memref_slice %arg3[%mul3A_11, %dma_wait3A_47] : memref<64x10000xf32, #tpu.memory_space<hbm>> -> memref<4x10000xf32, #tpu.memory_space<hbm>>
    %dma_wait3A_49 = arith.constant 0 : i32
    %dma_wait3A_50 = tpu.memref_slice %arg3[%mul3A_11, %dma_wait3A_49] : memref<64x10000xf32, #tpu.memory_space<hbm>> -> memref<4x10000xf32, #tpu.memory_space<hbm>>
    tpu.wait_dma2 semaphore(%arg9 : memref<!tpu.dma_semaphore, #tpu.memory_space<semaphore_mem>>) src(%dma_wait3A_50 : memref<4x10000xf32, #tpu.memory_space<hbm>>) dst(%arg6 : memref<4x10000xf32, #tpu.memory_space<vmem>>)
    %parallel_loop3A = arith.constant 0 : i32
    %parallel_loop3A_51 = arith.constant 2048 : i32
    %parallel_loop3A_52 = arith.constant 16 : i32
    scf.for %parallel_loop3A_182 = %parallel_loop3A to %parallel_loop3A_51 step %parallel_loop3A_52  : i32 {
      %parallel_loop3A_183 = arith.constant 0 : i32
      %parallel_loop3A_184 = arith.addi %parallel_loop3A_183, %parallel_loop3A_182 : i32
      %parallel_loop3A_185 = arith.index_cast %parallel_loop3A_184 : i32 to index
      %parallel_loop3A_186 = tpu.vector_load %arg5[%parallel_loop3A_185] {strides = array<i32>} : memref<8192xi32, #tpu.memory_space<vmem>>, vector<16xi32>,
      %parallel_loop3A_187 = arith.constant 0 : i32
      %parallel_loop3A_188 = vector.broadcast %parallel_loop3A_187 : i32 to vector<16xi32>
      %parallel_loop3A_189 = tpu.vector_load_idx %arg6[%parallel_loop3A_188, %parallel_loop3A_186] : memref<4x10000xf32, #tpu.memory_space<vmem>>[vector<16xi32>, vector<16xi32>], vector<16xf32>,
      %parallel_loop3A_190 = arith.constant 0 : i32
      %parallel_loop3A_191 = arith.constant 0 : i32
      %parallel_loop3A_192 = arith.index_cast %parallel_loop3A_190 : i32 to index
      %parallel_loop3A_193 = arith.index_cast %parallel_loop3A_191 : i32 to index
      %parallel_loop3A_194 = arith.index_cast %parallel_loop3A_182 : i32 to index
      %parallel_loop3A_195 = tpu.vector_load %arg7[%parallel_loop3A_192, %parallel_loop3A_193, %parallel_loop3A_194] {strides = array<i32>} : memref<2x4x2048xf32, #tpu.memory_space<vmem>>, vector<16xf32>,
      tpu.vector_store %arg7[%parallel_loop3A_192, %parallel_loop3A_193, %parallel_loop3A_194], %parallel_loop3A_189 {strides = array<i32>} : memref<2x4x2048xf32, #tpu.memory_space<vmem>>, vector<16xf32>,
      %parallel_loop3A_196 = arith.constant 1 : i32
      %parallel_loop3A_197 = vector.broadcast %parallel_loop3A_196 : i32 to vector<16xi32>
      %parallel_loop3A_198 = tpu.vector_load_idx %arg6[%parallel_loop3A_197, %parallel_loop3A_186] : memref<4x10000xf32, #tpu.memory_space<vmem>>[vector<16xi32>, vector<16xi32>], vector<16xf32>,
      %parallel_loop3A_199 = arith.constant 0 : i32
      %parallel_loop3A_200 = arith.constant 1 : i32
      %parallel_loop3A_201 = arith.index_cast %parallel_loop3A_199 : i32 to index
      %parallel_loop3A_202 = arith.index_cast %parallel_loop3A_200 : i32 to index
      %parallel_loop3A_203 = arith.index_cast %parallel_loop3A_182 : i32 to index
      %parallel_loop3A_204 = tpu.vector_load %arg7[%parallel_loop3A_201, %parallel_loop3A_202, %parallel_loop3A_203] {strides = array<i32>} : memref<2x4x2048xf32, #tpu.memory_space<vmem>>, vector<16xf32>,
      tpu.vector_store %arg7[%parallel_loop3A_201, %parallel_loop3A_202, %parallel_loop3A_203], %parallel_loop3A_198 {strides = array<i32>} : memref<2x4x2048xf32, #tpu.memory_space<vmem>>, vector<16xf32>,
      %parallel_loop3A_205 = arith.constant 2 : i32
      %parallel_loop3A_206 = vector.broadcast %parallel_loop3A_205 : i32 to vector<16xi32>
      %parallel_loop3A_207 = tpu.vector_load_idx %arg6[%parallel_loop3A_206, %parallel_loop3A_186] : memref<4x10000xf32, #tpu.memory_space<vmem>>[vector<16xi32>, vector<16xi32>], vector<16xf32>,
      %parallel_loop3A_208 = arith.constant 0 : i32
      %parallel_loop3A_209 = arith.constant 2 : i32
      %parallel_loop3A_210 = arith.index_cast %parallel_loop3A_208 : i32 to index
      %parallel_loop3A_211 = arith.index_cast %parallel_loop3A_209 : i32 to index
      %parallel_loop3A_212 = arith.index_cast %parallel_loop3A_182 : i32 to index
      %parallel_loop3A_213 = tpu.vector_load %arg7[%parallel_loop3A_210, %parallel_loop3A_211, %parallel_loop3A_212] {strides = array<i32>} : memref<2x4x2048xf32, #tpu.memory_space<vmem>>, vector<16xf32>,
      tpu.vector_store %arg7[%parallel_loop3A_210, %parallel_loop3A_211, %parallel_loop3A_212], %parallel_loop3A_207 {strides = array<i32>} : memref<2x4x2048xf32, #tpu.memory_space<vmem>>, vector<16xf32>,
      %parallel_loop3A_214 = arith.constant 3 : i32
      %parallel_loop3A_215 = vector.broadcast %parallel_loop3A_214 : i32 to vector<16xi32>
      %parallel_loop3A_216 = tpu.vector_load_idx %arg6[%parallel_loop3A_215, %parallel_loop3A_186] : memref<4x10000xf32, #tpu.memory_space<vmem>>[vector<16xi32>, vector<16xi32>], vector<16xf32>,
      %parallel_loop3A_217 = arith.constant 0 : i32
      %parallel_loop3A_218 = arith.constant 3 : i32
      %parallel_loop3A_219 = arith.index_cast %parallel_loop3A_217 : i32 to index
      %parallel_loop3A_220 = arith.index_cast %parallel_loop3A_218 : i32 to index
      %parallel_loop3A_221 = arith.index_cast %parallel_loop3A_182 : i32 to index
      %parallel_loop3A_222 = tpu.vector_load %arg7[%parallel_loop3A_219, %parallel_loop3A_220, %parallel_loop3A_221] {strides = array<i32>} : memref<2x4x2048xf32, #tpu.memory_space<vmem>>, vector<16xf32>,
      tpu.vector_store %arg7[%parallel_loop3A_219, %parallel_loop3A_220, %parallel_loop3A_221], %parallel_loop3A_216 {strides = array<i32>} : memref<2x4x2048xf32, #tpu.memory_space<vmem>>, vector<16xf32>,
    } {sc.loop_unroll_factor = 1 : i64, sc.parallel_access}
    %add3A_53 = arith.constant 0 : i32
    %add3A_54 = arith.addi %mul3A_34, %add3A_53 : i32
    %dma_start3A_55 = arith.constant 0 : i32
    %dma_start3A_56 = arith.constant 0 : i32
    %dma_start3A_57 = arith.constant 0 : i32
    %dma_start3A_58 = arith.constant 0 : i32
    %dma_start3A_59 = tpu.memref_slice %arg7[%dma_start3A_55, %dma_start3A_57, %dma_start3A_58] : memref<2x4x2048xf32, #tpu.memory_space<vmem>> -> memref<1x4x2048xf32, #tpu.memory_space<vmem>>
    %dma_start3A_60 = tpu.memref_squeeze %dma_start3A_59 : memref<1x4x2048xf32, #tpu.memory_space<vmem>> -> memref<4x2048xf32, #tpu.memory_space<vmem>>
    %dma_start3A_61 = tpu.memref_slice %arg4[%mul3A_11, %add3A_54] : memref<64x16384xf32, #tpu.memory_space<hbm>> -> memref<4x2048xf32, #tpu.memory_space<hbm>>
    %dma_start3A_62 = tpu.memref_slice %arg10[%dma_start3A_56] : memref<2x!tpu.dma_semaphore, #tpu.memory_space<semaphore_mem>> -> memref<1x!tpu.dma_semaphore, #tpu.memory_space<semaphore_mem>>
    %dma_start3A_63 = tpu.memref_squeeze %dma_start3A_62 : memref<1x!tpu.dma_semaphore, #tpu.memory_space<semaphore_mem>> -> memref<!tpu.dma_semaphore, #tpu.memory_space<semaphore_mem>>
    %dma_start3A_64 = tpu.memref_slice %arg4[%mul3A_11, %add3A_54] : memref<64x16384xf32, #tpu.memory_space<hbm>> -> memref<4x2048xf32, #tpu.memory_space<hbm>>
    %dma_start3A_65 = arith.constant 0 : i32
    %dma_start3A_66 = arith.constant 0 : i32
    %dma_start3A_67 = tpu.memref_slice %arg7[%dma_start3A_55, %dma_start3A_65, %dma_start3A_66] : memref<2x4x2048xf32, #tpu.memory_space<vmem>> -> memref<1x4x2048xf32, #tpu.memory_space<vmem>>
    %dma_start3A_68 = tpu.memref_squeeze %dma_start3A_67 : memref<1x4x2048xf32, #tpu.memory_space<vmem>> -> memref<4x2048xf32, #tpu.memory_space<vmem>>
    tpu.enqueue_dma source(%dma_start3A_68 : memref<4x2048xf32, #tpu.memory_space<vmem>>) target(%dma_start3A_64 : memref<4x2048xf32, #tpu.memory_space<hbm>>) target_semaphore(%dma_start3A_63 : memref<!tpu.dma_semaphore, #tpu.memory_space<semaphore_mem>>)
    %parallel_loop3A_69 = arith.constant 0 : i32
    %parallel_loop3A_70 = arith.constant 2048 : i32
    %parallel_loop3A_71 = arith.constant 16 : i32
    scf.for %parallel_loop3A_182 = %parallel_loop3A_69 to %parallel_loop3A_70 step %parallel_loop3A_71  : i32 {
      %parallel_loop3A_183 = arith.constant 2048 : i32
      %parallel_loop3A_184 = arith.addi %parallel_loop3A_183, %parallel_loop3A_182 : i32
      %parallel_loop3A_185 = arith.index_cast %parallel_loop3A_184 : i32 to index
      %parallel_loop3A_186 = tpu.vector_load %arg5[%parallel_loop3A_185] {strides = array<i32>} : memref<8192xi32, #tpu.memory_space<vmem>>, vector<16xi32>,
      %parallel_loop3A_187 = arith.constant 0 : i32
      %parallel_loop3A_188 = vector.broadcast %parallel_loop3A_187 : i32 to vector<16xi32>
      %parallel_loop3A_189 = tpu.vector_load_idx %arg6[%parallel_loop3A_188, %parallel_loop3A_186] : memref<4x10000xf32, #tpu.memory_space<vmem>>[vector<16xi32>, vector<16xi32>], vector<16xf32>,
      %parallel_loop3A_190 = arith.constant 1 : i32
      %parallel_loop3A_191 = arith.constant 0 : i32
      %parallel_loop3A_192 = arith.index_cast %parallel_loop3A_190 : i32 to index
      %parallel_loop3A_193 = arith.index_cast %parallel_loop3A_191 : i32 to index
      %parallel_loop3A_194 = arith.index_cast %parallel_loop3A_182 : i32 to index
      %parallel_loop3A_195 = tpu.vector_load %arg7[%parallel_loop3A_192, %parallel_loop3A_193, %parallel_loop3A_194] {strides = array<i32>} : memref<2x4x2048xf32, #tpu.memory_space<vmem>>, vector<16xf32>,
      tpu.vector_store %arg7[%parallel_loop3A_192, %parallel_loop3A_193, %parallel_loop3A_194], %parallel_loop3A_189 {strides = array<i32>} : memref<2x4x2048xf32, #tpu.memory_space<vmem>>, vector<16xf32>,
      %parallel_loop3A_196 = arith.constant 1 : i32
      %parallel_loop3A_197 = vector.broadcast %parallel_loop3A_196 : i32 to vector<16xi32>
      %parallel_loop3A_198 = tpu.vector_load_idx %arg6[%parallel_loop3A_197, %parallel_loop3A_186] : memref<4x10000xf32, #tpu.memory_space<vmem>>[vector<16xi32>, vector<16xi32>], vector<16xf32>,
      %parallel_loop3A_199 = arith.constant 1 : i32
      %parallel_loop3A_200 = arith.constant 1 : i32
      %parallel_loop3A_201 = arith.index_cast %parallel_loop3A_199 : i32 to index
      %parallel_loop3A_202 = arith.index_cast %parallel_loop3A_200 : i32 to index
      %parallel_loop3A_203 = arith.index_cast %parallel_loop3A_182 : i32 to index
      %parallel_loop3A_204 = tpu.vector_load %arg7[%parallel_loop3A_201, %parallel_loop3A_202, %parallel_loop3A_203] {strides = array<i32>} : memref<2x4x2048xf32, #tpu.memory_space<vmem>>, vector<16xf32>,
      tpu.vector_store %arg7[%parallel_loop3A_201, %parallel_loop3A_202, %parallel_loop3A_203], %parallel_loop3A_198 {strides = array<i32>} : memref<2x4x2048xf32, #tpu.memory_space<vmem>>, vector<16xf32>,
      %parallel_loop3A_205 = arith.constant 2 : i32
      %parallel_loop3A_206 = vector.broadcast %parallel_loop3A_205 : i32 to vector<16xi32>
      %parallel_loop3A_207 = tpu.vector_load_idx %arg6[%parallel_loop3A_206, %parallel_loop3A_186] : memref<4x10000xf32, #tpu.memory_space<vmem>>[vector<16xi32>, vector<16xi32>], vector<16xf32>,
      %parallel_loop3A_208 = arith.constant 1 : i32
      %parallel_loop3A_209 = arith.constant 2 : i32
      %parallel_loop3A_210 = arith.index_cast %parallel_loop3A_208 : i32 to index
      %parallel_loop3A_211 = arith.index_cast %parallel_loop3A_209 : i32 to index
      %parallel_loop3A_212 = arith.index_cast %parallel_loop3A_182 : i32 to index
      %parallel_loop3A_213 = tpu.vector_load %arg7[%parallel_loop3A_210, %parallel_loop3A_211, %parallel_loop3A_212] {strides = array<i32>} : memref<2x4x2048xf32, #tpu.memory_space<vmem>>, vector<16xf32>,
      tpu.vector_store %arg7[%parallel_loop3A_210, %parallel_loop3A_211, %parallel_loop3A_212], %parallel_loop3A_207 {strides = array<i32>} : memref<2x4x2048xf32, #tpu.memory_space<vmem>>, vector<16xf32>,
      %parallel_loop3A_214 = arith.constant 3 : i32
      %parallel_loop3A_215 = vector.broadcast %parallel_loop3A_214 : i32 to vector<16xi32>
      %parallel_loop3A_216 = tpu.vector_load_idx %arg6[%parallel_loop3A_215, %parallel_loop3A_186] : memref<4x10000xf32, #tpu.memory_space<vmem>>[vector<16xi32>, vector<16xi32>], vector<16xf32>,
      %parallel_loop3A_217 = arith.constant 1 : i32
      %parallel_loop3A_218 = arith.constant 3 : i32
      %parallel_loop3A_219 = arith.index_cast %parallel_loop3A_217 : i32 to index
      %parallel_loop3A_220 = arith.index_cast %parallel_loop3A_218 : i32 to index
      %parallel_loop3A_221 = arith.index_cast %parallel_loop3A_182 : i32 to index
      %parallel_loop3A_222 = tpu.vector_load %arg7[%parallel_loop3A_219, %parallel_loop3A_220, %parallel_loop3A_221] {strides = array<i32>} : memref<2x4x2048xf32, #tpu.memory_space<vmem>>, vector<16xf32>,
      tpu.vector_store %arg7[%parallel_loop3A_219, %parallel_loop3A_220, %parallel_loop3A_221], %parallel_loop3A_216 {strides = array<i32>} : memref<2x4x2048xf32, #tpu.memory_space<vmem>>, vector<16xf32>,
    } {sc.loop_unroll_factor = 1 : i64, sc.parallel_access}
    %add3A_72 = arith.constant 2048 : i32
    %add3A_73 = arith.addi %mul3A_34, %add3A_72 : i32
    %dma_start3A_74 = arith.constant 1 : i32
    %dma_start3A_75 = arith.constant 1 : i32
    %dma_start3A_76 = arith.constant 0 : i32
    %dma_start3A_77 = arith.constant 0 : i32
    %dma_start3A_78 = tpu.memref_slice %arg7[%dma_start3A_74, %dma_start3A_76, %dma_start3A_77] : memref<2x4x2048xf32, #tpu.memory_space<vmem>> -> memref<1x4x2048xf32, #tpu.memory_space<vmem>>
    %dma_start3A_79 = tpu.memref_squeeze %dma_start3A_78 : memref<1x4x2048xf32, #tpu.memory_space<vmem>> -> memref<4x2048xf32, #tpu.memory_space<vmem>>
    %dma_start3A_80 = tpu.memref_slice %arg4[%mul3A_11, %add3A_73] : memref<64x16384xf32, #tpu.memory_space<hbm>> -> memref<4x2048xf32, #tpu.memory_space<hbm>>
    %dma_start3A_81 = tpu.memref_slice %arg10[%dma_start3A_75] : memref<2x!tpu.dma_semaphore, #tpu.memory_space<semaphore_mem>> -> memref<1x!tpu.dma_semaphore, #tpu.memory_space<semaphore_mem>>
    %dma_start3A_82 = tpu.memref_squeeze %dma_start3A_81 : memref<1x!tpu.dma_semaphore, #tpu.memory_space<semaphore_mem>> -> memref<!tpu.dma_semaphore, #tpu.memory_space<semaphore_mem>>
    %dma_start3A_83 = tpu.memref_slice %arg4[%mul3A_11, %add3A_73] : memref<64x16384xf32, #tpu.memory_space<hbm>> -> memref<4x2048xf32, #tpu.memory_space<hbm>>
    %dma_start3A_84 = arith.constant 0 : i32
    %dma_start3A_85 = arith.constant 0 : i32
    %dma_start3A_86 = tpu.memref_slice %arg7[%dma_start3A_74, %dma_start3A_84, %dma_start3A_85] : memref<2x4x2048xf32, #tpu.memory_space<vmem>> -> memref<1x4x2048xf32, #tpu.memory_space<vmem>>
    %dma_start3A_87 = tpu.memref_squeeze %dma_start3A_86 : memref<1x4x2048xf32, #tpu.memory_space<vmem>> -> memref<4x2048xf32, #tpu.memory_space<vmem>>
    tpu.enqueue_dma source(%dma_start3A_87 : memref<4x2048xf32, #tpu.memory_space<vmem>>) target(%dma_start3A_83 : memref<4x2048xf32, #tpu.memory_space<hbm>>) target_semaphore(%dma_start3A_82 : memref<!tpu.dma_semaphore, #tpu.memory_space<semaphore_mem>>)
    %dma_wait3A_88 = arith.constant 0 : i32
    %dma_wait3A_89 = arith.constant 0 : i32
    %dma_wait3A_90 = arith.constant 0 : i32
    %dma_wait3A_91 = arith.constant 0 : i32
    %dma_wait3A_92 = tpu.memref_slice %arg7[%dma_wait3A_88, %dma_wait3A_90, %dma_wait3A_91] : memref<2x4x2048xf32, #tpu.memory_space<vmem>> -> memref<1x4x2048xf32, #tpu.memory_space<vmem>>
    %dma_wait3A_93 = tpu.memref_squeeze %dma_wait3A_92 : memref<1x4x2048xf32, #tpu.memory_space<vmem>> -> memref<4x2048xf32, #tpu.memory_space<vmem>>
    %dma_wait3A_94 = tpu.memref_slice %arg4[%mul3A_11, %add3A_54] : memref<64x16384xf32, #tpu.memory_space<hbm>> -> memref<4x2048xf32, #tpu.memory_space<hbm>>
    %dma_wait3A_95 = tpu.memref_slice %arg10[%dma_wait3A_89] : memref<2x!tpu.dma_semaphore, #tpu.memory_space<semaphore_mem>> -> memref<1x!tpu.dma_semaphore, #tpu.memory_space<semaphore_mem>>
    %dma_wait3A_96 = tpu.memref_squeeze %dma_wait3A_95 : memref<1x!tpu.dma_semaphore, #tpu.memory_space<semaphore_mem>> -> memref<!tpu.dma_semaphore, #tpu.memory_space<semaphore_mem>>
    %dma_wait3A_97 = tpu.memref_slice %arg4[%mul3A_11, %add3A_54] : memref<64x16384xf32, #tpu.memory_space<hbm>> -> memref<4x2048xf32, #tpu.memory_space<hbm>>
    %dma_wait3A_98 = arith.constant 0 : i32
    %dma_wait3A_99 = arith.constant 0 : i32
    %dma_wait3A_100 = tpu.memref_slice %arg7[%dma_wait3A_88, %dma_wait3A_98, %dma_wait3A_99] : memref<2x4x2048xf32, #tpu.memory_space<vmem>> -> memref<1x4x2048xf32, #tpu.memory_space<vmem>>
    %dma_wait3A_101 = tpu.memref_squeeze %dma_wait3A_100 : memref<1x4x2048xf32, #tpu.memory_space<vmem>> -> memref<4x2048xf32, #tpu.memory_space<vmem>>
    tpu.wait_dma2 semaphore(%dma_wait3A_96 : memref<!tpu.dma_semaphore, #tpu.memory_space<semaphore_mem>>) src(%dma_wait3A_101 : memref<4x2048xf32, #tpu.memory_space<vmem>>) dst(%dma_wait3A_97 : memref<4x2048xf32, #tpu.memory_space<hbm>>)
    %parallel_loop3A_102 = arith.constant 0 : i32
    %parallel_loop3A_103 = arith.constant 2048 : i32
    %parallel_loop3A_104 = arith.constant 16 : i32
    scf.for %parallel_loop3A_182 = %parallel_loop3A_102 to %parallel_loop3A_103 step %parallel_loop3A_104  : i32 {
      %parallel_loop3A_183 = arith.constant 4096 : i32
      %parallel_loop3A_184 = arith.addi %parallel_loop3A_183, %parallel_loop3A_182 : i32
      %parallel_loop3A_185 = arith.index_cast %parallel_loop3A_184 : i32 to index
      %parallel_loop3A_186 = tpu.vector_load %arg5[%parallel_loop3A_185] {strides = array<i32>} : memref<8192xi32, #tpu.memory_space<vmem>>, vector<16xi32>,
      %parallel_loop3A_187 = arith.constant 0 : i32
      %parallel_loop3A_188 = vector.broadcast %parallel_loop3A_187 : i32 to vector<16xi32>
      %parallel_loop3A_189 = tpu.vector_load_idx %arg6[%parallel_loop3A_188, %parallel_loop3A_186] : memref<4x10000xf32, #tpu.memory_space<vmem>>[vector<16xi32>, vector<16xi32>], vector<16xf32>,
      %parallel_loop3A_190 = arith.constant 0 : i32
      %parallel_loop3A_191 = arith.constant 0 : i32
      %parallel_loop3A_192 = arith.index_cast %parallel_loop3A_190 : i32 to index
      %parallel_loop3A_193 = arith.index_cast %parallel_loop3A_191 : i32 to index
      %parallel_loop3A_194 = arith.index_cast %parallel_loop3A_182 : i32 to index
      %parallel_loop3A_195 = tpu.vector_load %arg7[%parallel_loop3A_192, %parallel_loop3A_193, %parallel_loop3A_194] {strides = array<i32>} : memref<2x4x2048xf32, #tpu.memory_space<vmem>>, vector<16xf32>,
      tpu.vector_store %arg7[%parallel_loop3A_192, %parallel_loop3A_193, %parallel_loop3A_194], %parallel_loop3A_189 {strides = array<i32>} : memref<2x4x2048xf32, #tpu.memory_space<vmem>>, vector<16xf32>,
      %parallel_loop3A_196 = arith.constant 1 : i32
      %parallel_loop3A_197 = vector.broadcast %parallel_loop3A_196 : i32 to vector<16xi32>
      %parallel_loop3A_198 = tpu.vector_load_idx %arg6[%parallel_loop3A_197, %parallel_loop3A_186] : memref<4x10000xf32, #tpu.memory_space<vmem>>[vector<16xi32>, vector<16xi32>], vector<16xf32>,
      %parallel_loop3A_199 = arith.constant 0 : i32
      %parallel_loop3A_200 = arith.constant 1 : i32
      %parallel_loop3A_201 = arith.index_cast %parallel_loop3A_199 : i32 to index
      %parallel_loop3A_202 = arith.index_cast %parallel_loop3A_200 : i32 to index
      %parallel_loop3A_203 = arith.index_cast %parallel_loop3A_182 : i32 to index
      %parallel_loop3A_204 = tpu.vector_load %arg7[%parallel_loop3A_201, %parallel_loop3A_202, %parallel_loop3A_203] {strides = array<i32>} : memref<2x4x2048xf32, #tpu.memory_space<vmem>>, vector<16xf32>,
      tpu.vector_store %arg7[%parallel_loop3A_201, %parallel_loop3A_202, %parallel_loop3A_203], %parallel_loop3A_198 {strides = array<i32>} : memref<2x4x2048xf32, #tpu.memory_space<vmem>>, vector<16xf32>,
      %parallel_loop3A_205 = arith.constant 2 : i32
      %parallel_loop3A_206 = vector.broadcast %parallel_loop3A_205 : i32 to vector<16xi32>
      %parallel_loop3A_207 = tpu.vector_load_idx %arg6[%parallel_loop3A_206, %parallel_loop3A_186] : memref<4x10000xf32, #tpu.memory_space<vmem>>[vector<16xi32>, vector<16xi32>], vector<16xf32>,
      %parallel_loop3A_208 = arith.constant 0 : i32
      %parallel_loop3A_209 = arith.constant 2 : i32
      %parallel_loop3A_210 = arith.index_cast %parallel_loop3A_208 : i32 to index
      %parallel_loop3A_211 = arith.index_cast %parallel_loop3A_209 : i32 to index
      %parallel_loop3A_212 = arith.index_cast %parallel_loop3A_182 : i32 to index
      %parallel_loop3A_213 = tpu.vector_load %arg7[%parallel_loop3A_210, %parallel_loop3A_211, %parallel_loop3A_212] {strides = array<i32>} : memref<2x4x2048xf32, #tpu.memory_space<vmem>>, vector<16xf32>,
      tpu.vector_store %arg7[%parallel_loop3A_210, %parallel_loop3A_211, %parallel_loop3A_212], %parallel_loop3A_207 {strides = array<i32>} : memref<2x4x2048xf32, #tpu.memory_space<vmem>>, vector<16xf32>,
      %parallel_loop3A_214 = arith.constant 3 : i32
      %parallel_loop3A_215 = vector.broadcast %parallel_loop3A_214 : i32 to vector<16xi32>
      %parallel_loop3A_216 = tpu.vector_load_idx %arg6[%parallel_loop3A_215, %parallel_loop3A_186] : memref<4x10000xf32, #tpu.memory_space<vmem>>[vector<16xi32>, vector<16xi32>], vector<16xf32>,
      %parallel_loop3A_217 = arith.constant 0 : i32
      %parallel_loop3A_218 = arith.constant 3 : i32
      %parallel_loop3A_219 = arith.index_cast %parallel_loop3A_217 : i32 to index
      %parallel_loop3A_220 = arith.index_cast %parallel_loop3A_218 : i32 to index
      %parallel_loop3A_221 = arith.index_cast %parallel_loop3A_182 : i32 to index
      %parallel_loop3A_222 = tpu.vector_load %arg7[%parallel_loop3A_219, %parallel_loop3A_220, %parallel_loop3A_221] {strides = array<i32>} : memref<2x4x2048xf32, #tpu.memory_space<vmem>>, vector<16xf32>,
      tpu.vector_store %arg7[%parallel_loop3A_219, %parallel_loop3A_220, %parallel_loop3A_221], %parallel_loop3A_216 {strides = array<i32>} : memref<2x4x2048xf32, #tpu.memory_space<vmem>>, vector<16xf32>,
    } {sc.loop_unroll_factor = 1 : i64, sc.parallel_access}
    %add3A_105 = arith.constant 4096 : i32
    %add3A_106 = arith.addi %mul3A_34, %add3A_105 : i32
    %dma_start3A_107 = arith.constant 0 : i32
    %dma_start3A_108 = arith.constant 0 : i32
    %dma_start3A_109 = arith.constant 0 : i32
    %dma_start3A_110 = arith.constant 0 : i32
    %dma_start3A_111 = tpu.memref_slice %arg7[%dma_start3A_107, %dma_start3A_109, %dma_start3A_110] : memref<2x4x2048xf32, #tpu.memory_space<vmem>> -> memref<1x4x2048xf32, #tpu.memory_space<vmem>>
    %dma_start3A_112 = tpu.memref_squeeze %dma_start3A_111 : memref<1x4x2048xf32, #tpu.memory_space<vmem>> -> memref<4x2048xf32, #tpu.memory_space<vmem>>
    %dma_start3A_113 = tpu.memref_slice %arg4[%mul3A_11, %add3A_106] : memref<64x16384xf32, #tpu.memory_space<hbm>> -> memref<4x2048xf32, #tpu.memory_space<hbm>>
    %dma_start3A_114 = tpu.memref_slice %arg10[%dma_start3A_108] : memref<2x!tpu.dma_semaphore, #tpu.memory_space<semaphore_mem>> -> memref<1x!tpu.dma_semaphore, #tpu.memory_space<semaphore_mem>>
    %dma_start3A_115 = tpu.memref_squeeze %dma_start3A_114 : memref<1x!tpu.dma_semaphore, #tpu.memory_space<semaphore_mem>> -> memref<!tpu.dma_semaphore, #tpu.memory_space<semaphore_mem>>
    %dma_start3A_116 = tpu.memref_slice %arg4[%mul3A_11, %add3A_106] : memref<64x16384xf32, #tpu.memory_space<hbm>> -> memref<4x2048xf32, #tpu.memory_space<hbm>>
    %dma_start3A_117 = arith.constant 0 : i32
    %dma_start3A_118 = arith.constant 0 : i32
    %dma_start3A_119 = tpu.memref_slice %arg7[%dma_start3A_107, %dma_start3A_117, %dma_start3A_118] : memref<2x4x2048xf32, #tpu.memory_space<vmem>> -> memref<1x4x2048xf32, #tpu.memory_space<vmem>>
    %dma_start3A_120 = tpu.memref_squeeze %dma_start3A_119 : memref<1x4x2048xf32, #tpu.memory_space<vmem>> -> memref<4x2048xf32, #tpu.memory_space<vmem>>
    tpu.enqueue_dma source(%dma_start3A_120 : memref<4x2048xf32, #tpu.memory_space<vmem>>) target(%dma_start3A_116 : memref<4x2048xf32, #tpu.memory_space<hbm>>) target_semaphore(%dma_start3A_115 : memref<!tpu.dma_semaphore, #tpu.memory_space<semaphore_mem>>)
    %dma_wait3A_121 = arith.constant 1 : i32
    %dma_wait3A_122 = arith.constant 1 : i32
    %dma_wait3A_123 = arith.constant 0 : i32
    %dma_wait3A_124 = arith.constant 0 : i32
    %dma_wait3A_125 = tpu.memref_slice %arg7[%dma_wait3A_121, %dma_wait3A_123, %dma_wait3A_124] : memref<2x4x2048xf32, #tpu.memory_space<vmem>> -> memref<1x4x2048xf32, #tpu.memory_space<vmem>>
    %dma_wait3A_126 = tpu.memref_squeeze %dma_wait3A_125 : memref<1x4x2048xf32, #tpu.memory_space<vmem>> -> memref<4x2048xf32, #tpu.memory_space<vmem>>
    %dma_wait3A_127 = tpu.memref_slice %arg4[%mul3A_11, %add3A_73] : memref<64x16384xf32, #tpu.memory_space<hbm>> -> memref<4x2048xf32, #tpu.memory_space<hbm>>
    %dma_wait3A_128 = tpu.memref_slice %arg10[%dma_wait3A_122] : memref<2x!tpu.dma_semaphore, #tpu.memory_space<semaphore_mem>> -> memref<1x!tpu.dma_semaphore, #tpu.memory_space<semaphore_mem>>
    %dma_wait3A_129 = tpu.memref_squeeze %dma_wait3A_128 : memref<1x!tpu.dma_semaphore, #tpu.memory_space<semaphore_mem>> -> memref<!tpu.dma_semaphore, #tpu.memory_space<semaphore_mem>>
    %dma_wait3A_130 = tpu.memref_slice %arg4[%mul3A_11, %add3A_73] : memref<64x16384xf32, #tpu.memory_space<hbm>> -> memref<4x2048xf32, #tpu.memory_space<hbm>>
    %dma_wait3A_131 = arith.constant 0 : i32
    %dma_wait3A_132 = arith.constant 0 : i32
    %dma_wait3A_133 = tpu.memref_slice %arg7[%dma_wait3A_121, %dma_wait3A_131, %dma_wait3A_132] : memref<2x4x2048xf32, #tpu.memory_space<vmem>> -> memref<1x4x2048xf32, #tpu.memory_space<vmem>>
    %dma_wait3A_134 = tpu.memref_squeeze %dma_wait3A_133 : memref<1x4x2048xf32, #tpu.memory_space<vmem>> -> memref<4x2048xf32, #tpu.memory_space<vmem>>
    tpu.wait_dma2 semaphore(%dma_wait3A_129 : memref<!tpu.dma_semaphore, #tpu.memory_space<semaphore_mem>>) src(%dma_wait3A_134 : memref<4x2048xf32, #tpu.memory_space<vmem>>) dst(%dma_wait3A_130 : memref<4x2048xf32, #tpu.memory_space<hbm>>)
    %parallel_loop3A_135 = arith.constant 0 : i32
    %parallel_loop3A_136 = arith.constant 2048 : i32
    %parallel_loop3A_137 = arith.constant 16 : i32
    scf.for %parallel_loop3A_182 = %parallel_loop3A_135 to %parallel_loop3A_136 step %parallel_loop3A_137  : i32 {
      %parallel_loop3A_183 = arith.constant 6144 : i32
      %parallel_loop3A_184 = arith.addi %parallel_loop3A_183, %parallel_loop3A_182 : i32
      %parallel_loop3A_185 = arith.index_cast %parallel_loop3A_184 : i32 to index
      %parallel_loop3A_186 = tpu.vector_load %arg5[%parallel_loop3A_185] {strides = array<i32>} : memref<8192xi32, #tpu.memory_space<vmem>>, vector<16xi32>,
      %parallel_loop3A_187 = arith.constant 0 : i32
      %parallel_loop3A_188 = vector.broadcast %parallel_loop3A_187 : i32 to vector<16xi32>
      %parallel_loop3A_189 = tpu.vector_load_idx %arg6[%parallel_loop3A_188, %parallel_loop3A_186] : memref<4x10000xf32, #tpu.memory_space<vmem>>[vector<16xi32>, vector<16xi32>], vector<16xf32>,
      %parallel_loop3A_190 = arith.constant 1 : i32
      %parallel_loop3A_191 = arith.constant 0 : i32
      %parallel_loop3A_192 = arith.index_cast %parallel_loop3A_190 : i32 to index
      %parallel_loop3A_193 = arith.index_cast %parallel_loop3A_191 : i32 to index
      %parallel_loop3A_194 = arith.index_cast %parallel_loop3A_182 : i32 to index
      %parallel_loop3A_195 = tpu.vector_load %arg7[%parallel_loop3A_192, %parallel_loop3A_193, %parallel_loop3A_194] {strides = array<i32>} : memref<2x4x2048xf32, #tpu.memory_space<vmem>>, vector<16xf32>,
      tpu.vector_store %arg7[%parallel_loop3A_192, %parallel_loop3A_193, %parallel_loop3A_194], %parallel_loop3A_189 {strides = array<i32>} : memref<2x4x2048xf32, #tpu.memory_space<vmem>>, vector<16xf32>,
      %parallel_loop3A_196 = arith.constant 1 : i32
      %parallel_loop3A_197 = vector.broadcast %parallel_loop3A_196 : i32 to vector<16xi32>
      %parallel_loop3A_198 = tpu.vector_load_idx %arg6[%parallel_loop3A_197, %parallel_loop3A_186] : memref<4x10000xf32, #tpu.memory_space<vmem>>[vector<16xi32>, vector<16xi32>], vector<16xf32>,
      %parallel_loop3A_199 = arith.constant 1 : i32
      %parallel_loop3A_200 = arith.constant 1 : i32
      %parallel_loop3A_201 = arith.index_cast %parallel_loop3A_199 : i32 to index
      %parallel_loop3A_202 = arith.index_cast %parallel_loop3A_200 : i32 to index
      %parallel_loop3A_203 = arith.index_cast %parallel_loop3A_182 : i32 to index
      %parallel_loop3A_204 = tpu.vector_load %arg7[%parallel_loop3A_201, %parallel_loop3A_202, %parallel_loop3A_203] {strides = array<i32>} : memref<2x4x2048xf32, #tpu.memory_space<vmem>>, vector<16xf32>,
      tpu.vector_store %arg7[%parallel_loop3A_201, %parallel_loop3A_202, %parallel_loop3A_203], %parallel_loop3A_198 {strides = array<i32>} : memref<2x4x2048xf32, #tpu.memory_space<vmem>>, vector<16xf32>,
      %parallel_loop3A_205 = arith.constant 2 : i32
      %parallel_loop3A_206 = vector.broadcast %parallel_loop3A_205 : i32 to vector<16xi32>
      %parallel_loop3A_207 = tpu.vector_load_idx %arg6[%parallel_loop3A_206, %parallel_loop3A_186] : memref<4x10000xf32, #tpu.memory_space<vmem>>[vector<16xi32>, vector<16xi32>], vector<16xf32>,
      %parallel_loop3A_208 = arith.constant 1 : i32
      %parallel_loop3A_209 = arith.constant 2 : i32
      %parallel_loop3A_210 = arith.index_cast %parallel_loop3A_208 : i32 to index
      %parallel_loop3A_211 = arith.index_cast %parallel_loop3A_209 : i32 to index
      %parallel_loop3A_212 = arith.index_cast %parallel_loop3A_182 : i32 to index
      %parallel_loop3A_213 = tpu.vector_load %arg7[%parallel_loop3A_210, %parallel_loop3A_211, %parallel_loop3A_212] {strides = array<i32>} : memref<2x4x2048xf32, #tpu.memory_space<vmem>>, vector<16xf32>,
      tpu.vector_store %arg7[%parallel_loop3A_210, %parallel_loop3A_211, %parallel_loop3A_212], %parallel_loop3A_207 {strides = array<i32>} : memref<2x4x2048xf32, #tpu.memory_space<vmem>>, vector<16xf32>,
      %parallel_loop3A_214 = arith.constant 3 : i32
      %parallel_loop3A_215 = vector.broadcast %parallel_loop3A_214 : i32 to vector<16xi32>
      %parallel_loop3A_216 = tpu.vector_load_idx %arg6[%parallel_loop3A_215, %parallel_loop3A_186] : memref<4x10000xf32, #tpu.memory_space<vmem>>[vector<16xi32>, vector<16xi32>], vector<16xf32>,
      %parallel_loop3A_217 = arith.constant 1 : i32
      %parallel_loop3A_218 = arith.constant 3 : i32
      %parallel_loop3A_219 = arith.index_cast %parallel_loop3A_217 : i32 to index
      %parallel_loop3A_220 = arith.index_cast %parallel_loop3A_218 : i32 to index
      %parallel_loop3A_221 = arith.index_cast %parallel_loop3A_182 : i32 to index
      %parallel_loop3A_222 = tpu.vector_load %arg7[%parallel_loop3A_219, %parallel_loop3A_220, %parallel_loop3A_221] {strides = array<i32>} : memref<2x4x2048xf32, #tpu.memory_space<vmem>>, vector<16xf32>,
      tpu.vector_store %arg7[%parallel_loop3A_219, %parallel_loop3A_220, %parallel_loop3A_221], %parallel_loop3A_216 {strides = array<i32>} : memref<2x4x2048xf32, #tpu.memory_space<vmem>>, vector<16xf32>,
    } {sc.loop_unroll_factor = 1 : i64, sc.parallel_access}
    %add3A_138 = arith.constant 6144 : i32
    %add3A_139 = arith.addi %mul3A_34, %add3A_138 : i32
    %dma_start3A_140 = arith.constant 1 : i32
    %dma_start3A_141 = arith.constant 1 : i32
    %dma_start3A_142 = arith.constant 0 : i32
    %dma_start3A_143 = arith.constant 0 : i32
    %dma_start3A_144 = tpu.memref_slice %arg7[%dma_start3A_140, %dma_start3A_142, %dma_start3A_143] : memref<2x4x2048xf32, #tpu.memory_space<vmem>> -> memref<1x4x2048xf32, #tpu.memory_space<vmem>>
    %dma_start3A_145 = tpu.memref_squeeze %dma_start3A_144 : memref<1x4x2048xf32, #tpu.memory_space<vmem>> -> memref<4x2048xf32, #tpu.memory_space<vmem>>
    %dma_start3A_146 = tpu.memref_slice %arg4[%mul3A_11, %add3A_139] : memref<64x16384xf32, #tpu.memory_space<hbm>> -> memref<4x2048xf32, #tpu.memory_space<hbm>>
    %dma_start3A_147 = tpu.memref_slice %arg10[%dma_start3A_141] : memref<2x!tpu.dma_semaphore, #tpu.memory_space<semaphore_mem>> -> memref<1x!tpu.dma_semaphore, #tpu.memory_space<semaphore_mem>>
    %dma_start3A_148 = tpu.memref_squeeze %dma_start3A_147 : memref<1x!tpu.dma_semaphore, #tpu.memory_space<semaphore_mem>> -> memref<!tpu.dma_semaphore, #tpu.memory_space<semaphore_mem>>
    %dma_start3A_149 = tpu.memref_slice %arg4[%mul3A_11, %add3A_139] : memref<64x16384xf32, #tpu.memory_space<hbm>> -> memref<4x2048xf32, #tpu.memory_space<hbm>>
    %dma_start3A_150 = arith.constant 0 : i32
    %dma_start3A_151 = arith.constant 0 : i32
    %dma_start3A_152 = tpu.memref_slice %arg7[%dma_start3A_140, %dma_start3A_150, %dma_start3A_151] : memref<2x4x2048xf32, #tpu.memory_space<vmem>> -> memref<1x4x2048xf32, #tpu.memory_space<vmem>>
    %dma_start3A_153 = tpu.memref_squeeze %dma_start3A_152 : memref<1x4x2048xf32, #tpu.memory_space<vmem>> -> memref<4x2048xf32, #tpu.memory_space<vmem>>
    tpu.enqueue_dma source(%dma_start3A_153 : memref<4x2048xf32, #tpu.memory_space<vmem>>) target(%dma_start3A_149 : memref<4x2048xf32, #tpu.memory_space<hbm>>) target_semaphore(%dma_start3A_148 : memref<!tpu.dma_semaphore, #tpu.memory_space<semaphore_mem>>)
    %dma_wait3A_154 = arith.constant 0 : i32
    %dma_wait3A_155 = arith.constant 0 : i32
    %dma_wait3A_156 = arith.constant 0 : i32
    %dma_wait3A_157 = arith.constant 0 : i32
    %dma_wait3A_158 = tpu.memref_slice %arg7[%dma_wait3A_154, %dma_wait3A_156, %dma_wait3A_157] : memref<2x4x2048xf32, #tpu.memory_space<vmem>> -> memref<1x4x2048xf32, #tpu.memory_space<vmem>>
    %dma_wait3A_159 = tpu.memref_squeeze %dma_wait3A_158 : memref<1x4x2048xf32, #tpu.memory_space<vmem>> -> memref<4x2048xf32, #tpu.memory_space<vmem>>
    %dma_wait3A_160 = tpu.memref_slice %arg4[%mul3A_11, %add3A_106] : memref<64x16384xf32, #tpu.memory_space<hbm>> -> memref<4x2048xf32, #tpu.memory_space<hbm>>
    %dma_wait3A_161 = tpu.memref_slice %arg10[%dma_wait3A_155] : memref<2x!tpu.dma_semaphore, #tpu.memory_space<semaphore_mem>> -> memref<1x!tpu.dma_semaphore, #tpu.memory_space<semaphore_mem>>
    %dma_wait3A_162 = tpu.memref_squeeze %dma_wait3A_161 : memref<1x!tpu.dma_semaphore, #tpu.memory_space<semaphore_mem>> -> memref<!tpu.dma_semaphore, #tpu.memory_space<semaphore_mem>>
    %dma_wait3A_163 = tpu.memref_slice %arg4[%mul3A_11, %add3A_106] : memref<64x16384xf32, #tpu.memory_space<hbm>> -> memref<4x2048xf32, #tpu.memory_space<hbm>>
    %dma_wait3A_164 = arith.constant 0 : i32
    %dma_wait3A_165 = arith.constant 0 : i32
    %dma_wait3A_166 = tpu.memref_slice %arg7[%dma_wait3A_154, %dma_wait3A_164, %dma_wait3A_165] : memref<2x4x2048xf32, #tpu.memory_space<vmem>> -> memref<1x4x2048xf32, #tpu.memory_space<vmem>>
    %dma_wait3A_167 = tpu.memref_squeeze %dma_wait3A_166 : memref<1x4x2048xf32, #tpu.memory_space<vmem>> -> memref<4x2048xf32, #tpu.memory_space<vmem>>
    tpu.wait_dma2 semaphore(%dma_wait3A_162 : memref<!tpu.dma_semaphore, #tpu.memory_space<semaphore_mem>>) src(%dma_wait3A_167 : memref<4x2048xf32, #tpu.memory_space<vmem>>) dst(%dma_wait3A_163 : memref<4x2048xf32, #tpu.memory_space<hbm>>)
    %dma_wait3A_168 = arith.constant 1 : i32
    %dma_wait3A_169 = arith.constant 1 : i32
    %dma_wait3A_170 = arith.constant 0 : i32
    %dma_wait3A_171 = arith.constant 0 : i32
    %dma_wait3A_172 = tpu.memref_slice %arg7[%dma_wait3A_168, %dma_wait3A_170, %dma_wait3A_171] : memref<2x4x2048xf32, #tpu.memory_space<vmem>> -> memref<1x4x2048xf32, #tpu.memory_space<vmem>>
    %dma_wait3A_173 = tpu.memref_squeeze %dma_wait3A_172 : memref<1x4x2048xf32, #tpu.memory_space<vmem>> -> memref<4x2048xf32, #tpu.memory_space<vmem>>
    %dma_wait3A_174 = tpu.memref_slice %arg4[%mul3A_11, %add3A_139] : memref<64x16384xf32, #tpu.memory_space<hbm>> -> memref<4x2048xf32, #tpu.memory_space<hbm>>
    %dma_wait3A_175 = tpu.memref_slice %arg10[%dma_wait3A_169] : memref<2x!tpu.dma_semaphore, #tpu.memory_space<semaphore_mem>> -> memref<1x!tpu.dma_semaphore, #tpu.memory_space<semaphore_mem>>
    %dma_wait3A_176 = tpu.memref_squeeze %dma_wait3A_175 : memref<1x!tpu.dma_semaphore, #tpu.memory_space<semaphore_mem>> -> memref<!tpu.dma_semaphore, #tpu.memory_space<semaphore_mem>>
    %dma_wait3A_177 = tpu.memref_slice %arg4[%mul3A_11, %add3A_139] : memref<64x16384xf32, #tpu.memory_space<hbm>> -> memref<4x2048xf32, #tpu.memory_space<hbm>>
    %dma_wait3A_178 = arith.constant 0 : i32
    %dma_wait3A_179 = arith.constant 0 : i32
    %dma_wait3A_180 = tpu.memref_slice %arg7[%dma_wait3A_168, %dma_wait3A_178, %dma_wait3A_179] : memref<2x4x2048xf32, #tpu.memory_space<vmem>> -> memref<1x4x2048xf32, #tpu.memory_space<vmem>>
    %dma_wait3A_181 = tpu.memref_squeeze %dma_wait3A_180 : memref<1x4x2048xf32, #tpu.memory_space<vmem>> -> memref<4x2048xf32, #tpu.memory_space<vmem>>
    tpu.wait_dma2 semaphore(%dma_wait3A_176 : memref<!tpu.dma_semaphore, #tpu.memory_space<semaphore_mem>>) src(%dma_wait3A_181 : memref<4x2048xf32, #tpu.memory_space<vmem>>) dst(%dma_wait3A_177 : memref<4x2048xf32, #tpu.memory_space<hbm>>)
    return
  }
}

</mosaic_0001>

<sc_bundles>
// kernel: kernel.3.cloned.1.call-start
scs
__scs_entry_jumppad:
0x0: {  	(pc) =	sbr.rel $0x88, $3  }
0x1: {  	(tag) =	ssettag $0x0;
	lr =	simm.s32 $0x1  }
0x2: {  	[smem:$0x3F9F] =	sst lr;
	_ =	strace $0xD0000000  }
0x3: {  	_ = 	snop  }
0x4: {  	_ = 	snop  }
0x5: {  	_ = 	snop  }
0x6: {  	_ = 	snop  }
0x7: {  	_ = 	snop  }
__scs_overlays_trampoline_lowered:
0x8: {  	[smem:$0x3FAE] =	sst s0  }
0x9: {  	[smem:$0x3FAF] =	sst s1  }
0xa: {  	[smem:$0x3FB0] =	sst s2  }
0xb: {  	[smem:$0x3FB1] =	sst s3  }
0xc: {  	[smem:$0x3FB2] =	sst s4  }
0xd: {  	[smem:$0x3FB3] =	sst s5  }
0xe: {  	[smem:$0x3FB4] =	sst s6  }
0xf: {  	[smem:$0x3FB5] =	sst s7  }
0x10: {  	[smem:$0x3FB6] =	sst s8  }
0x11: {  	[smem:$0x3FB7] =	sst s9;
	s0 =	simm.s32 @!p0 $0x0  }
0x12: {  	s1 =	sld [smem:$0x3F9D];
	s0 =	simm.s32 @p0 $0x1  }
0x13: {  	[smem:$0x3FB8] =	sst s0;
	s0 =	simm.s32 @!p1 $0x0  }
0x14: {  	s2 =	sld [smem:$0x3F9C];
	s0 =	simm.s32 @p1 $0x1  }
0x15: {  	[smem:$0x3FB9] =	sst s0;
	s0 =	simm.s32 @!p2 $0x0  }
0x16: {  	s3 =	sld [smem:$0x3FDB];
	s0 =	simm.s32 @p2 $0x1  }
0x17: {  	s4 =	simm.s32 $0x1BF5;
	[smem:$0x3FBB] =	sst s0  }
0x18: {  	s0 =	sld [smem:$0x3F9E];
	_ =	swait.ge [sflag:s4], $0x0  }
0x19: {  	s7 =	sld [smem:$0x3F9F]  }
0x1a: {  	s8 =	sadd.s32 $0xFFFFE003, lr  }
0x1b: {  	s9 =	sadd.s32 $0xFFFFFEF7, lr;
	s5 =	simm.s32 $0xFFFFFFFF;
	p2 =	slt.u32 s8, $0xFFFFF086  }
0x1c: {  	p1 =	slt.u32 s9, $0xF7A;
	s5 =	simm.s32 @!p2 $0x0  }
0x1d: {  	s5 =	simm.s32 @p1 $0x1;
	p0 =	seq.s32 s7, s2  }
0x1e: {  	s7 =	smul.u32 @!p0 $0xF7A, s2;
	p2 =	seq.s32 @!p0 s5, $0x0  }
0x1f: {  	s9 =	smul.u32 $0xF7A, s1;
	s8 =	simm.s32 @!p0 $0x1BF5;
	p2 =	por !p2, p0  }
0x20: {  	[sflag:s8] =	ssyncset.s32 @!p0 $0xFFFFF086;
	s6 =	sadd.s32 @!p0 s3, s7;
	s7 =	simm.s32 @!p0 $0x108  }
0x21: {  	s3 =	sadd.s32 s3, s9;
	s6 =	sadd.s32 @!p0 $0x88, s6;
	s7 =	simm.s32 @p2 $0x1082  }
0x22: {  	[simem:s7], [sflag:s8] =	dma.local @!p0 [hbm:s6], $0xF7A  }
0x23: {  	s9 =	sor.u32 $0xD0000000, s2;
	s6 =	simm.s32 $0x108;
	_ =	swait.ge @!p0 [sflag:s8], $0x0  }
0x24: {  	s3 =	sadd.s32 $0x88, s3;
	s6 =	simm.s32 @!p1 $0x1082;
	[sflag:s4] =	ssyncset.s32 $0xFFFFF086  }
0x25: {  	[simem:s6], [sflag:s4] =	dma.local [hbm:s3], $0xF7A  }
0x26: {  	[smem:$0x3F9F] =	sst s1;
	(tag) =	ssettag s2;
	_ =	strace s9  }
0x27: {  	s1 =	sld [smem:$0x3FAF]  }
0x28: {  	s2 =	sld [smem:$0x3FB0]  }
0x29: {  	s4 =	sld [smem:$0x3FB2]  }
0x2a: {  	p0 =	seq.s32 s5, $0x0;
	s5 =	sld [smem:$0x3FB3]  }
0x2b: {  	s6 =	sld [smem:$0x3FB4]  }
0x2c: {  	s7 =	sld [smem:$0x3FB5]  }
0x2d: {  	s3 =	simm.s32 $0x108;
	s8 =	sld [smem:$0x3FB6]  }
0x2e: {  	s3 =	simm.s32 @!p0 $0x1082;
	s9 =	sld [smem:$0x3FB7]  }
0x2f: {  	lr =	sadd.s32 s0, s3;
	s0 =	sld [smem:$0x3FAE]  }
0x30: {  	s3 =	sld [smem:$0x3FB1]  }
0x31: {  	[smem:$0x3FBA] =	sst s10  }
0x32: {  	s10 =	sld [smem:$0x3FB8];
	_ =	sdelay $0x3  }
0x33: {  	p0 =	seq.s32 s10, $0x1;
	s10 =	sld [smem:$0x3FBA];
	_ =	sdelay $0x3  }
0x34: {  	[smem:$0x3FBA] =	sst s10  }
0x35: {  	s10 =	sld [smem:$0x3FB9];
	_ =	sdelay $0x3  }
0x36: {  	p1 =	seq.s32 s10, $0x1;
	s10 =	sld [smem:$0x3FBA];
	_ =	sdelay $0x3  }
0x37: {  	[smem:$0x3FBA] =	sst s10  }
0x38: {  	s10 =	sld [smem:$0x3FBB]  }
0x39: {  	_ = 	snop;
	(pc) =	sbr.ind lr, $3  }
0x3a: {  	_ = 	snop  }
0x3b: {  	_ = 	snop  }
0x3c: {  	p2 =	seq.s32 s10, $0x1;
	s10 =	sld [smem:$0x3FBA]  }
0x3d: {  	_ =	shalt  }
0x3e: {  	_ =	shalt  }
0x3f: {  	_ =	shalt  }
0x40: {  	_ =	shalt  }
0x41: {  	_ =	shalt  }
0x42: {  	_ =	shalt  }
0x43: {  	_ =	shalt  }
0x44: {  	_ =	shalt  }
0x45: {  	_ =	shalt  }
0x46: {  	_ =	shalt  }
0x47: {  	_ =	shalt  }
0x48: {  	_ =	shalt  }
0x49: {  	_ =	shalt  }
0x4a: {  	_ =	shalt  }
0x4b: {  	_ =	shalt  }
0x4c: {  	_ =	shalt  }
0x4d: {  	_ =	shalt  }
0x4e: {  	_ =	shalt  }
0x4f: {  	_ =	shalt  }
0x50: {  	_ =	shalt  }
0x51: {  	_ =	shalt  }
0x52: {  	_ =	shalt  }
0x53: {  	_ =	shalt  }
0x54: {  	_ =	shalt  }
0x55: {  	_ =	shalt  }
0x56: {  	_ =	shalt  }
0x57: {  	_ =	shalt  }
0x58: {  	_ =	shalt  }
0x59: {  	_ =	shalt  }
0x5a: {  	_ =	shalt  }
0x5b: {  	_ =	shalt  }
0x5c: {  	_ =	shalt  }
0x5d: {  	_ =	shalt  }
0x5e: {  	_ =	shalt  }
0x5f: {  	_ =	shalt  }
0x60: {  	_ =	shalt  }
0x61: {  	_ =	shalt  }
0x62: {  	_ =	shalt  }
0x63: {  	_ =	shalt  }
0x64: {  	_ =	shalt  }
0x65: {  	_ =	shalt  }
0x66: {  	_ =	shalt  }
0x67: {  	_ =	shalt  }
0x68: {  	_ =	shalt  }
0x69: {  	_ =	shalt  }
0x6a: {  	_ =	shalt  }
0x6b: {  	_ =	shalt  }
0x6c: {  	_ =	shalt  }
0x6d: {  	_ =	shalt  }
0x6e: {  	_ =	shalt  }
0x6f: {  	_ =	shalt  }
0x70: {  	_ =	shalt  }
0x71: {  	_ =	shalt  }
0x72: {  	_ =	shalt  }
0x73: {  	_ =	shalt  }
0x74: {  	_ =	shalt  }
0x75: {  	_ =	shalt  }
0x76: {  	_ =	shalt  }
0x77: {  	_ =	shalt  }
0x78: {  	_ =	shalt  }
0x79: {  	_ =	shalt  }
0x7a: {  	_ =	shalt  }
0x7b: {  	_ =	shalt  }
0x7c: {  	_ =	shalt  }
0x7d: {  	_ =	shalt  }
0x7e: {  	_ =	shalt  }
0x7f: {  	_ =	shalt  }
0x80: {  	_ =	shalt  }
0x81: {  	_ =	shalt  }
0x82: {  	_ =	shalt  }
0x83: {  	_ =	shalt  }
0x84: {  	_ =	shalt  }
0x85: {  	_ =	shalt  }
0x86: {  	_ =	shalt  }
0x87: {  	_ =	shalt  }
.Lfunc_end0:
.L_simem_size_0:
called_computation_lowered:
.L_overlay_start_0:
0x88: {  	s2 =	sld [smem:$0x3FD9]  }
0x89: {  	s3 =	sld [smem:$0x3FFE];
	_ =	sdelay $0x1  }
0x8a: {  	s1 =	srdreg.scid  }
0x8b: {  	s0 =	sand.u32 $0x1, s1  }
0x8c: {  	s18 =	sshll.u32 s0, $0xA;
	s2 =	sadd.s32 s3, s2  }
0x8d: {  	s2 =	sadd.s32 s2, s18  }
0x8e: {  	[smem:$0x3FC6] =	sst s2  }
0x8f: {  	_ = 	snop  }
0x90: {  	s2 =	sld [smem:$0x3FC9]  }
0x91: {  	s19 =	sld [smem:$0x3FC8]  }
0x92: {  	s4 =	sld [smem:$0x3FD0];
	(tm) =	ssettm $0x1  }
0x93: {  	s5 =	sld [smem:$0x3FFB];
	_ =	sdelay $0x3  }
0x94: {  	_ =	strace s5  }
0x95: {  	s5 =	sld [smem:$0x3FFC];
	_ =	sdelay $0x3  }
0x96: {  	_ =	strace s5  }
0x97: {  	s5 =	sld [smem:$0x3FFD];
	_ =	sdelay $0x3  }
0x98: {  	_ =	strace s5  }
0x99: {  	_ =	strace $0x8FFFFFFF  }
0x9a: {  	s20 =	sld [smem:$0x3FDB];
	_ =	sdelay $0x1  }
0x9b: {  	s6 =	simm.s32 $_scs_section_size  }
0x9c: {  	s7 =	simm.s32 $_size__tile_overlayer_lowered;
	s8 =	simm.s32 $_tile_overlayer_lowered  }
0x9d: {  	s23 =	simm.s32 $0x1BFF;
	s22 =	sshll.u32 s8, $0x1;
	s5 =	sadd.s32 s6, s20  }
0x9e: {  	s9 =	simm.s32 $0x0;
	s21 =	sshll.u32 s7, $0x1;
	s7 =	sadd.s32 s22, s5  }
0x9f: {  	[timem:s9], [sflag:s23] =	dma.local [hbm:s7], s21  }
0xa0: {  	_ =	swait.ge [sflag:s23], s21  }
0xa1: {  	s6 =	ssub.s32 $0x0, s21;
	[sflag:s23] =	ssyncset.done $0x0  }
0xa2: {  	[sflag:s23] =	ssyncadd.s32 s6;
	_ =	sdelay $0x1  }
0xa3: {  	s24 =	simm.s32 $0x1B8B  }
0xa4: {  	_ =	swait.ge [sflag:s24], $0x1  }
0xa5: {  	[sflag:s24] =	ssyncset.done $0x0  }
0xa6: {  	s25 =	simm.s32 $0x1B8E;
	[sflag:s24] =	ssyncadd.s32 $0xFFFFFFFF  }
0xa7: {  	s26 =	simm.s32 $execute0_lowered;
	[smem:$0x3FD2] =	sst s25  }
0xa8: {  	s6 =	sshll.u32 s26, $0x1;
	_ =	strace $0x80000046;
	[dreg:$0x1] =	wrdreg $0xFFFFFFFF  }
0xa9: {  	s28 =	simm.s32 $_size_execute0_lowered;
	s5 =	sadd.s32 s5, s6;
	[dreg:$0x0] =	wrdreg $0x0  }
0xaa: {  	s6 =	sshll.u32 s28, $0x1;
	[dreg:$0x2] =	wrdreg s5  }
0xab: {  	[dreg:$0x3] =	wrdreg s6  }
0xac: {  	[dreg:$0x4] =	wrdreg $0xC0  }
0xad: {  	_ =	task [dreg:s9], $0x5FFFF  }
0xae: {  	[dreg:$0x1] =	wrdreg $0xFFFFFFFF  }
0xaf: {  	[dreg:$0x0] =	wrdreg $0x60  }
0xb0: {  	[dreg:$0x2] =	wrdreg s2  }
0xb1: {  	[dreg:$0x3] =	wrdreg s19  }
0xb2: {  	[dreg:$0x4] =	wrdreg s4  }
0xb3: {  	[dreg:$0x5] =	wrdreg $0x9  }
0xb4: {  	_ =	task.clear_ibuf [dreg:s9], $0x6FFFF;
	_ =	strace $0x90000046  }
0xb5: {  	s29 =	simm.s32 $0x9;
	_ =	strace $0x80000048  }
0xb6: {  	_ =	swait.ge [sflag:s29], $0x1  }
0xb7: {  	[sflag:s29] =	ssyncadd.s32 $0xFFFFFFFF  }
0xb8: {  	_ =	strace $0x90000048  }
0xb9: {  	_ =	sfence  }
0xba: {  	s30 =	sld [smem:$0x0];
	_ =	sdelay $0x2  }
0xbb: {  	s31 =	sshll.u32 s1, $0xD;
	s1 =	sshrl.u32 s1, $0x2  }
0xbc: {  	s3 =	sand.u32 $0x4000, s31;
	s1 =	sadd.s32 s1, s30  }
0xbd: {  	s0 =	sor.u32 s3, s0;
	s1 =	sshll.u32 s1, $0x11  }
0xbe: {  	s0 =	sor.u32 s1, s0  }
0xbf: {  	s0 =	sadd.s32 $0x8F2B, s0  }
0xc0: {  	[sflag:s0] =	ssyncadd.remote.s32 $0x1  }
0xc1: {  	_ =	sfence.sel $0xFFFF  }
0xc2: {  	[dreg:$0x0] =	wrdreg $0xFFFFFFFF;
	(pc) =	sbr.abs _section_cstart, $3  }
0xc3: {  	[dreg:$0x1] =	wrdreg $0xFFFFFFFF  }
0xc4: {  	_ =	task.clear_ibuf [dreg:s9], $0x2FFFF;
	_ =	strace $0x9FFFFFFF  }
0xc5: {  	(tm) =	ssettm $0x7FFFFFFF  }
tec
execute0_lowered:
.L_overlay_start_1:
0x0: {  	(tag) =	ssettag $0x1  }
0x1: {  	s0 =	rddreg [dreg:$0x0]  }
0x2: {  	s5 =	rddreg [dreg:$0x1]  }
0x3: {  	s4 =	rddreg [dreg:$0x2]  }
0x4: {  	s2 =	simm.s32 $0x0;
	s3 =	srdreg.scid;
	s1 =	stileid.u32  }
0x5: {  	s11 =	simm.s32 $0x400;
	s12 =	simm.s32 $0x2000;
	s13 =	simm.s32 $0x1  }
0x6: {  	s14 =	simm.s32 $0x2;
	s15 =	simm.s32 $0xBE00;
	s16 =	simm.s32 $0xDE00  }
0x7: {  	s17 =	simm.s32 $0x3;
	s18 =	simm.s32 $0x4;
	s19 =	simm.s32 $0x0  }
0x8: {  	[smem:$0x7FF] =	sst s2;
	s3 =	sand.u32 $0x1, s3;
	s6 =	sshll.u32 s1, $0x1  }
0x9: {  	s8 =	sshrl.u32 s1, $0x3;
	s7 =	ssub.s32 $0x2, s3;
	s6 =	sand.u32 $0xE, s6  }
0xa: {  	s3 =	sshll.u32 s3, $0x9;
	_ =	strace $0x80000047;
	s10 =	sshrl.u32 s6, $0x1  }
0xb: {  	s9 =	sshrl.u32 s7, $0x1;
	s6 =	sor.u32 s8, s6;
	s10 =	smul.u32 $0x13C00, s10  }
0xc: {  	s29 =	sshll.u32 s8, $0xA;
	s6 =	sshll.u32 s6, $0x10;
	s9 =	ssub.s32 s7, s9  }
0xd: {  	s6 =	sor.u32 s3, s6;
	s9 =	smax.u32 s9, $0x1;
	s30 =	sor.u32 s3, s10  }
0xe: {  	s6 =	sshrl.u32 s6, $0x3;
	s3 =	sadd.s32 s0, s29;
	s31 =	sshrl.u32 s30, $0x3  }
0xf: {  	s10 =	simm.s32 $0x200;
	s4 =	sadd.s32 s4, s6;
	s5 =	sadd.s32 s5, s31  }
0x10: {  	s6 =	sadd.s32 $0x800, s4;
	s7 =	sadd.s32 $0x1000, s4;
	s8 =	sadd.s32 $0x1800, s4  }
.LBB2_1:
0x11: {  	[tilespmem:s2], [sflag:$0x1] =	stream.linear.gather [hbm4b:s3+s2], $0x2000, $0x38;
	[tilespmem:$0xFE00] =	vst v63  }
0x12: {  	_ = 	snop  }
0x13: {  	[tilespmem:s12], [sflag:$0x2] =	stream.strided.gather [hbm4b:s5+s10], $0x9E00, s11, s10, $0x38;
	[tilespmem:$0xFE00] =	vst v63  }
0x14: {  	_ =	swait.ge [sflag:s13], $0x2000  }
0x15: {  	[sflag:s13] =	ssyncset.done $0x0  }
0x16: {  	[sflag:s13] =	ssyncadd.s32 $0xFFFFE000  }
0x17: {  	_ =	swait.ge [sflag:s14], $0x9E00  }
0x18: {  	[sflag:s14] =	ssyncset.done $0x0  }
0x19: {  	s0 =	simm.s32 $0x0;
	[sflag:s14] =	ssyncadd.s32 $0xFFFF6200  }
0x1a: {  	v0 =	vld [tilespmem:s0+$0x0];
	_ =	sdelay $0x3  }
0x1b: {  	s21 =	simm.s32 $0x10  }
0x1c: {  	v2 =	vld [tilespmem:s21+$0x0];
	v1 =	vshll.u32 v0, $0x2  }
0x1d: {  	v0 =	vand.u32 $0x7F, v0;
	v1 =	vand.u32 $0xFFFFFE00, v1  }
0x1e: {  	v3 =	vor.u32 v0, v1  }
0x1f: {  	s22 =	simm.s32 $0x20  }
0x20: {  	v1 =	vld [tilespmem:s22+$0x0]  }
0x21: {  	v0 =	vshll.u32 v2, $0x2  }
0x22: {  	v2 =	vand.u32 $0x7F, v2;
	v0 =	vand.u32 $0xFFFFFE00, v0  }
0x23: {  	s20 =	simm.s32 $0x30;
	v7 =	vor.u32 v2, v0;
	v2 =	vld.idx.msk [tilespmem:v3+s12+$0x0], $0xffff  }
0x24: {  	v5 =	vld [tilespmem:s20+$0x0];
	v4 =	vor.u32 $0x80, v3  }
0x25: {  	s23 =	simm.s32 $0x0;
	v0 =	vshll.u32 v1, $0x2  }
0x26: {  	s21 =	sand.u32 $0x1E00, s2;
	s0 =	sand.u32 $0x70, s23;
	v1 =	vand.u32 $0x7F, v1;
	v0 =	vand.u32 $0xFFFFFE00, v0  }
0x27: {  	s22 =	sor.u32 s0, s21;
	v0 =	vor.u32 v1, v0  }
0x28: {  	v6 =	vld.idx.msk [tilespmem:v7+s12+$0x0], $0xffff;
	[tilespmem:s22+$0xBE00] =	vst v2  }
0x29: {  	v1 =	vshll.u32 v5, $0x2;
	v2 =	vor.u32 $0x80, v7;
	v4 =	vld.idx.msk [tilespmem:v4+s12+$0x0], $0xffff  }
0x2a: {  	s24 =	simm.s32 $0x10;
	s25 =	simm.s32 $0x40;
	s26 =	simm.s32 $0x40;
	v8 =	vor.u32 $0x100, v3;
	v5 =	vand.u32 $0x7F, v5;
	v1 =	vand.u32 $0xFFFFFE00, v1  }
0x2b: {  	s20 =	sand.u32 $0x1E00, s25;
	v9 =	vld [tilespmem:s26+$0x0];
	s0 =	sand.u32 $0x70, s24;
	v1 =	vor.u32 v5, v1  }
0x2c: {  	s23 =	simm.s32 $0x50;
	s20 =	sor.u32 s0, s20;
	v5 =	vld.idx.msk [tilespmem:v0+s12+$0x0], $0xffff  }
0x2d: {  	v11 =	vld [tilespmem:s23+$0x0];
	[tilespmem:s20+$0xBE00] =	vst v6;
	v6 =	vor.u32 $0x80, v0  }
0x2e: {  	s1 =	simm.s32 $0x20;
	s24 =	simm.s32 $0x80;
	v10 =	vld.idx.msk [tilespmem:v2+s12+$0x0], $0xffff;
	[tilespmem:s22+$0xBE80] =	vst v4  }
0x2f: {  	s21 =	sand.u32 $0x1E00, s24;
	s0 =	sand.u32 $0x70, s1;
	v4 =	vor.u32 $0x100, v7;
	v8 =	vld.idx.msk [tilespmem:v8+s12+$0x0], $0xffff  }
0x30: {  	s21 =	sor.u32 s0, s21;
	v3 =	vor.u32 $0x180, v3;
	v12 =	vld.idx.msk [tilespmem:v1+s12+$0x0], $0xffff;
	v2 =	vshll.u32 v9, $0x2  }
0x31: {  	v15 =	vor.u32 $0x80, v1;
	v9 =	vand.u32 $0x7F, v9;
	v2 =	vand.u32 $0xFFFFFE00, v2;
	[tilespmem:s21+$0xBE00] =	vst v5  }
0x32: {  	s25 =	simm.s32 $0x30;
	s26 =	simm.s32 $0xC0;
	s24 =	simm.s32 $0x60;
	v2 =	vor.u32 v9, v2;
	v16 =	vld.idx.msk [tilespmem:v6+s12+$0x0], $0xffff  }
0x33: {  	s23 =	sand.u32 $0x1E00, s26;
	s0 =	sand.u32 $0x70, s25;
	v13 =	vld [tilespmem:s24+$0x0];
	[tilespmem:s20+$0xBE80] =	vst v10  }
0x34: {  	s23 =	sor.u32 s0, s23;
	v5 =	vor.u32 $0x100, v0;
	v6 =	vshll.u32 v11, $0x2;
	v4 =	vld.idx.msk [tilespmem:v4+s12+$0x0], $0xffff;
	[tilespmem:s22+$0xBF00] =	vst v8  }
0x35: {  	s29 =	simm.s32 $0x40;
	s30 =	simm.s32 $0x60;
	v7 =	vor.u32 $0x180, v7;
	v6 =	vand.u32 $0xFFFFFE00, v6;
	[tilespmem:s23+$0xBE00] =	vst v12;
	v10 =	vand.u32 $0x7F, v11;
	v3 =	vld.idx.msk [tilespmem:v3+s12+$0x0], $0xffff  }
0x36: {  	s31 =	simm.s32 $0x180;
	s28 =	simm.s32 $0x180;
	s26 =	simm.s32 $0x60;
	v9 =	vor.u32 $0x100, v2;
	v6 =	vor.u32 v10, v6;
	v10 =	vld.idx.msk [tilespmem:v15+s12+$0x0], $0xffff  }
0x37: {  	s25 =	simm.s32 $0x100;
	s24 =	simm.s32 $0x50;
	s0 =	simm.s32 $0x140;
	v12 =	vor.u32 $0x80, v2;
	v8 =	vor.u32 $0x100, v1;
	v11 =	vld.idx.msk [tilespmem:v2+s12+$0x0], $0xffff;
	v14 =	vor.u32 $0x100, v6;
	[tilespmem:s21+$0xBE80] =	vst v16  }
.LBB2_2:
0x38: {  	s30 =	sadd.s32 $0x10, s30  }
0x39: {  	s1 =	sand.u32 $0x1E00, s25;
	[tilespmem:s20+$0xBF00] =	vst v4;
	v4 =	vld.idx.msk [tilespmem:v5+s12+$0x0], $0xffff;
	v5 =	vmov v8;
	v8 =	vmov v9;
	v9 =	vmov v14;
	s25 =	smov.u32 s0;
	p0 =	slt.u32 s30, $0x7F0  }
.Ltmp0:
0x3a: {  	s31 =	sadd.s32 $0x40, s31;
	s0 =	sand.u32 $0x70, s29;
	[tilespmem:s22+$0xBF80] =	vst v3;
	v3 =	vld.idx.msk [tilespmem:v7+s12+$0x0], $0xffff;
	v7 =	vor.u32 $0x180, v0;
	v0 =	vmovc v1;
	v1 =	vmov v2;
	v2 =	vmov v6;
	(pc) =	sbr.rel @p0 .LBB2_2-.Ltmp0, $4  }
0x3b: {  	s22 =	sshra.s32 s31, $0x2;
	s1 =	sor.u32 s0, s1;
	v14 =	vshll.u32 v13, $0x2  }
0x3c: {  	s29 =	smov.u32 s24;
	s24 =	smov.u32 s26;
	s26 =	smov.u32 s30;
	v15 =	vand.u32 $0x7F, v13;
	v13 =	vld [tilespmem:s22+$0x0];
	v14 =	vand.u32 $0xFFFFFE00, v14  }
0x3d: {  	s0 =	smov.u32 s28;
	s28 =	smov.u32 s31;
	s22 =	smov.u32 s20;
	[tilespmem:s1+$0xBE00] =	vst v11;
	v11 =	vld.idx.msk [tilespmem:v6+s12+$0x0], $0xffff;
	v6 =	vor.u32 v15, v14  }
0x3e: {  	s20 =	smov.u32 s21;
	s21 =	smov.u32 s23;
	v14 =	vor.u32 $0x100, v6;
	[tilespmem:s23+$0xBE80] =	vst v10;
	v10 =	vld.idx.msk [tilespmem:v12+s12+$0x0], $0xffff;
	v12 =	vor.u32 $0x80, v2;
	s23 =	smov.u32 s1  }
0x3f: {  	_ =	sdelay $0x1  }
0x40: {  	v15 =	vshll.u32 v13, $0x2  }
0x41: {  	v13 =	vand.u32 $0x7F, v13;
	v15 =	vand.u32 $0xFFFFFE00, v15  }
0x42: {  	v13 =	vor.u32 v13, v15;
	_ =	sdelay $0x3  }
0x43: {  	v15 =	vld.idx.msk [tilespmem:v6+s12+$0x0], $0xffff  }
0x44: {  	v16 =	vor.u32 $0x80, v6;
	v17 =	vld.idx.msk [tilespmem:v13+s12+$0x0], $0xffff  }
0x45: {  	s1 =	sand.u32 $0x1E00, s25;
	s31 =	sand.u32 $0x70, s29;
	v18 =	vor.u32 $0x80, v13  }
0x46: {  	s0 =	sand.u32 $0x1E00, s0;
	s24 =	sand.u32 $0x70, s24;
	s1 =	sor.u32 s31, s1  }
0x47: {  	s30 =	sand.u32 $0x1E00, s28;
	s0 =	sor.u32 s24, s0;
	s31 =	sand.u32 $0x70, s26;
	[tilespmem:s1+$0xBE00] =	vst v11  }
0x48: {  	s24 =	sor.u32 s31, s30;
	v11 =	vld.idx.msk [tilespmem:v12+s12+$0x0], $0xffff;
	[tilespmem:s0+$0xBE00] =	vst v15  }
0x49: {  	v12 =	vld.idx.msk [tilespmem:v16+s12+$0x0], $0xffff;
	[tilespmem:s24+$0xBE00] =	vst v17  }
0x4a: {  	v15 =	vld.idx.msk [tilespmem:v18+s12+$0x0], $0xffff  }
0x4b: {  	[tilespmem:s20+$0xBF00] =	vst v4;
	v4 =	vor.u32 $0x100, v13  }
0x4c: {  	v5 =	vld.idx.msk [tilespmem:v5+s12+$0x0], $0xffff;
	[tilespmem:s23+$0xBE80] =	vst v10  }
0x4d: {  	v0 =	vor.u32 $0x180, v0;
	v8 =	vld.idx.msk [tilespmem:v8+s12+$0x0], $0xffff;
	[tilespmem:s1+$0xBE80] =	vst v11  }
0x4e: {  	v1 =	vor.u32 $0x180, v1;
	v9 =	vld.idx.msk [tilespmem:v9+s12+$0x0], $0xffff;
	[tilespmem:s0+$0xBE80] =	vst v12  }
0x4f: {  	v2 =	vor.u32 $0x180, v2;
	v10 =	vld.idx.msk [tilespmem:v14+s12+$0x0], $0xffff;
	[tilespmem:s24+$0xBE80] =	vst v15  }
0x50: {  	[tilespmem:s22+$0xBF80] =	vst v3;
	v3 =	vor.u32 $0x180, v6;
	v4 =	vld.idx.msk [tilespmem:v4+s12+$0x0], $0xffff  }
0x51: {  	v6 =	vld.idx.msk [tilespmem:v7+s12+$0x0], $0xffff;
	[tilespmem:s21+$0xBF00] =	vst v5;
	v5 =	vor.u32 $0x180, v13  }
0x52: {  	v0 =	vld.idx.msk [tilespmem:v0+s12+$0x0], $0xffff;
	[tilespmem:s23+$0xBF00] =	vst v8  }
0x53: {  	v1 =	vld.idx.msk [tilespmem:v1+s12+$0x0], $0xffff;
	[tilespmem:s1+$0xBF00] =	vst v9  }
0x54: {  	v2 =	vld.idx.msk [tilespmem:v2+s12+$0x0], $0xffff;
	[tilespmem:s0+$0xBF00] =	vst v10  }
0x55: {  	v3 =	vld.idx.msk [tilespmem:v3+s12+$0x0], $0xffff;
	[tilespmem:s24+$0xBF00] =	vst v4  }
0x56: {  	[tilespmem:s20+$0xBF80] =	vst v6;
	v4 =	vld.idx.msk [tilespmem:v5+s12+$0x0], $0xffff  }
0x57: {  	[tilespmem:s21+$0xBF80] =	vst v0  }
0x58: {  	[tilespmem:s23+$0xBF80] =	vst v1  }
0x59: {  	[tilespmem:s1+$0xBF80] =	vst v2  }
0x5a: {  	s21 =	simm.s32 $0x0;
	[tilespmem:s0+$0xBF80] =	vst v3  }
0x5b: {  	s22 =	sand.u32 $0x7F0, s21;
	[tilespmem:s24+$0xBF80] =	vst v4  }
0x5c: {  	[hbm4b:s4+s10] =	stream.strided.scatter [tilespmem:s15], [sflag:$0x3], $0x2000, s11, s10, $0x38;
	[tilespmem:$0xFE00] =	vst v63  }
0x5d: {  	v0 =	vld [tilespmem:s22+$0x800];
	_ =	sdelay $0x2  }
0x5e: {  	s1 =	simm.s32 $0x10  }
0x5f: {  	s23 =	sand.u32 $0x7F0, s1  }
0x60: {  	v2 =	vld [tilespmem:s23+$0x800];
	v1 =	vshll.u32 v0, $0x2  }
0x61: {  	v0 =	vand.u32 $0x7F, v0;
	v1 =	vand.u32 $0xFFFFFE00, v1  }
0x62: {  	v3 =	vor.u32 v0, v1  }
0x63: {  	s22 =	simm.s32 $0x20  }
0x64: {  	s24 =	sand.u32 $0x7F0, s22  }
0x65: {  	v0 =	vshll.u32 v2, $0x2;
	v1 =	vld [tilespmem:s24+$0x800]  }
0x66: {  	v2 =	vand.u32 $0x7F, v2;
	v0 =	vand.u32 $0xFFFFFE00, v0  }
0x67: {  	v6 =	vor.u32 v2, v0;
	v2 =	vld.idx.msk [tilespmem:v3+s12+$0x0], $0xffff  }
0x68: {  	s23 =	simm.s32 $0x30;
	v4 =	vor.u32 $0x80, v3  }
0x69: {  	s25 =	simm.s32 $0x0;
	s26 =	sand.u32 $0x7F0, s23  }
0x6a: {  	s20 =	sand.u32 $0x1E00, s25;
	s0 =	sand.u32 $0x70, s21;
	v5 =	vld [tilespmem:s26+$0x800];
	v0 =	vshll.u32 v1, $0x2  }
0x6b: {  	s20 =	sor.u32 s0, s20;
	v1 =	vand.u32 $0x7F, v1;
	v0 =	vand.u32 $0xFFFFFE00, v0  }
0x6c: {  	v0 =	vor.u32 v1, v0;
	v7 =	vld.idx.msk [tilespmem:v6+s12+$0x0], $0xffff;
	[tilespmem:s20+$0xDE00] =	vst v2  }
0x6d: {  	s0 =	simm.s32 $0x40;
	v2 =	vld.idx.msk [tilespmem:v4+s12+$0x0], $0xffff;
	v4 =	vor.u32 $0x80, v6  }
0x6e: {  	s30 =	simm.s32 $0x40;
	s31 =	sand.u32 $0x7F0, s0  }
0x6f: {  	s1 =	sand.u32 $0x70, s1;
	s21 =	sand.u32 $0x1E00, s30;
	v9 =	vld [tilespmem:s31+$0x800];
	v8 =	vor.u32 $0x100, v3;
	v1 =	vshll.u32 v5, $0x2  }
0x70: {  	s21 =	sor.u32 s1, s21;
	v5 =	vand.u32 $0x7F, v5;
	v1 =	vand.u32 $0xFFFFFE00, v1  }
0x71: {  	s25 =	simm.s32 $0x50;
	v1 =	vor.u32 v5, v1;
	v5 =	vld.idx.msk [tilespmem:v0+s12+$0x0], $0xffff;
	[tilespmem:s21+$0xDE00] =	vst v7  }
0x72: {  	s26 =	sand.u32 $0x7F0, s25;
	v7 =	vor.u32 $0x80, v0;
	v4 =	vld.idx.msk [tilespmem:v4+s12+$0x0], $0xffff  }
0x73: {  	v11 =	vld [tilespmem:s26+$0x800];
	s24 =	simm.s32 $0x80;
	v10 =	vor.u32 $0x100, v6;
	[tilespmem:s20+$0xDE80] =	vst v2  }
0x74: {  	s22 =	sand.u32 $0x70, s22;
	s1 =	sand.u32 $0x1E00, s24;
	v2 =	vshll.u32 v9, $0x2;
	v8 =	vld.idx.msk [tilespmem:v8+s12+$0x0], $0xffff  }
0x75: {  	s22 =	sor.u32 s22, s1;
	v3 =	vor.u32 $0x180, v3;
	v9 =	vand.u32 $0x7F, v9;
	v2 =	vand.u32 $0xFFFFFE00, v2  }
0x76: {  	[tilespmem:s22+$0xDE00] =	vst v5;
	v2 =	vor.u32 v9, v2;
	v9 =	vld.idx.msk [tilespmem:v1+s12+$0x0], $0xffff  }
0x77: {  	s24 =	simm.s32 $0x60;
	v14 =	vor.u32 $0x80, v1;
	v13 =	vld.idx.msk [tilespmem:v7+s12+$0x0], $0xffff;
	[tilespmem:s21+$0xDE80] =	vst v4  }
0x78: {  	s30 =	simm.s32 $0xC0;
	s31 =	sand.u32 $0x7F0, s24;
	v15 =	vor.u32 $0x100, v0;
	v4 =	vshll.u32 v11, $0x2;
	v63 =	vld.idx.msk [tilespmem:v10+s12+$0x0], $0xffff  }
0x79: {  	s23 =	sand.u32 $0x70, s23;
	s1 =	sand.u32 $0x1E00, s30;
	v12 =	vld [tilespmem:s31+$0x800];
	[tilespmem:s20+$0xDF00] =	vst v8;
	v8 =	vand.u32 $0x7F, v11;
	v4 =	vand.u32 $0xFFFFFE00, v4  }
0x7a: {  	s23 =	sor.u32 s23, s1;
	v3 =	vld.idx.msk [tilespmem:v3+s12+$0x0], $0xffff;
	v4 =	vor.u32 v8, v4;
	v8 =	vor.u32 $0x180, v6  }
0x7b: {  	v11 =	vld.idx.msk [tilespmem:v2+s12+$0x0], $0xffff;
	[tilespmem:s23+$0xDE00] =	vst v9  }
0x7c: {  	s29 =	simm.s32 $0x100;
	v7 =	vor.u32 $0x100, v1;
	[tilespmem:s22+$0xDE80] =	vst v13;
	v10 =	vld.idx.msk [tilespmem:v14+s12+$0x0], $0xffff  }
0x7d: {  	s28 =	sand.u32 $0x70, s25;
	s26 =	sand.u32 $0x70, s0;
	s25 =	sand.u32 $0x70, s24;
	v5 =	vor.u32 $0x100, v2;
	v13 =	vor.u32 $0x80, v2;
	v9 =	vor.u32 $0x100, v4;
	v6 =	vld.idx.msk [tilespmem:v15+s12+$0x0], $0xffff;
	[tilespmem:s21+$0xDF00] =	vst v63  }
.LBB2_4:
0x7e: {  	s24 =	sadd.s32 $0x10, s24  }
0x7f: {  	s0 =	sand.u32 $0x1E00, s29;
	[tilespmem:s20+$0xDF80] =	vst v3;
	v3 =	vld.idx.msk [tilespmem:v8+s12+$0x0], $0xffff;
	s20 =	smov.u32 s21;
	p0 =	slt.u32 s24, $0x7F0  }
.Ltmp1:
0x80: {  	v8 =	vor.u32 $0x180, v0;
	v0 =	vmovc v1;
	v1 =	vmovc v2;
	v2 =	vmov v4;
	s1 =	sand.u32 $0x70, s24;
	s21 =	sand.u32 $0x7F0, s24;
	v14 =	vshll.u32 v12, $0x2;
	(pc) =	sbr.rel @p0 .LBB2_4-.Ltmp1, $4  }
0x81: {  	v15 =	vand.u32 $0x7F, v12;
	s0 =	sor.u32 s26, s0;
	s26 =	smov.u32 s28;
	v12 =	vld [tilespmem:s21+$0x800];
	v14 =	vand.u32 $0xFFFFFE00, v14  }
0x82: {  	s28 =	smov.u32 s25;
	s25 =	smov.u32 s1;
	s21 =	smov.u32 s22;
	[tilespmem:s0+$0xDE00] =	vst v11;
	v11 =	vld.idx.msk [tilespmem:v4+s12+$0x0], $0xffff;
	v4 =	vor.u32 v15, v14  }
0x83: {  	s22 =	smov.u32 s23;
	v14 =	vor.u32 $0x100, v4;
	[tilespmem:s23+$0xDE80] =	vst v10;
	v10 =	vld.idx.msk [tilespmem:v13+s12+$0x0], $0xffff;
	s23 =	smov.u32 s0  }
0x84: {  	s29 =	sadd.s32 $0x40, s29;
	v13 =	vor.u32 $0x80, v2;
	[tilespmem:s21+$0xDF00] =	vst v6;
	v6 =	vld.idx.msk [tilespmem:v7+s12+$0x0], $0xffff;
	v7 =	vmovc v5;
	v5 =	vmov v9;
	v9 =	vmov v14  }
0x85: {  	_ = 	snop  }
0x86: {  	v14 =	vshll.u32 v12, $0x2  }
0x87: {  	v12 =	vand.u32 $0x7F, v12;
	v14 =	vand.u32 $0xFFFFFE00, v14  }
0x88: {  	v12 =	vor.u32 v12, v14;
	_ =	sdelay $0x3  }
0x89: {  	v14 =	vld.idx.msk [tilespmem:v4+s12+$0x0], $0xffff  }
0x8a: {  	v15 =	vor.u32 $0x80, v4;
	v16 =	vld.idx.msk [tilespmem:v12+s12+$0x0], $0xffff  }
0x8b: {  	s0 =	sand.u32 $0x1E00, s29;
	s1 =	sadd.s32 $0x40, s29;
	v17 =	vor.u32 $0x80, v12  }
0x8c: {  	s0 =	sor.u32 s26, s0;
	s24 =	sand.u32 $0x1E00, s1;
	s1 =	sadd.s32 $0x40, s1  }
0x8d: {  	[tilespmem:s0+$0xDE00] =	vst v11;
	s24 =	sor.u32 s28, s24;
	s1 =	sand.u32 $0x1E00, s1  }
0x8e: {  	v11 =	vld.idx.msk [tilespmem:v13+s12+$0x0], $0xffff;
	s1 =	sor.u32 s25, s1;
	[tilespmem:s24+$0xDE00] =	vst v14  }
0x8f: {  	v13 =	vld.idx.msk [tilespmem:v15+s12+$0x0], $0xffff;
	[tilespmem:s1+$0xDE00] =	vst v16  }
0x90: {  	v14 =	vld.idx.msk [tilespmem:v17+s12+$0x0], $0xffff  }
0x91: {  	v15 =	vor.u32 $0x100, v12  }
0x92: {  	[tilespmem:s23+$0xDE80] =	vst v10  }
0x93: {  	v0 =	vor.u32 $0x180, v0;
	v7 =	vld.idx.msk [tilespmem:v7+s12+$0x0], $0xffff;
	[tilespmem:s0+$0xDE80] =	vst v11  }
0x94: {  	v1 =	vor.u32 $0x180, v1;
	v5 =	vld.idx.msk [tilespmem:v5+s12+$0x0], $0xffff;
	[tilespmem:s24+$0xDE80] =	vst v13  }
0x95: {  	v2 =	vor.u32 $0x180, v2;
	v9 =	vld.idx.msk [tilespmem:v9+s12+$0x0], $0xffff;
	[tilespmem:s1+$0xDE80] =	vst v14  }
0x96: {  	[tilespmem:s20+$0xDF80] =	vst v3;
	v3 =	vor.u32 $0x180, v4;
	v4 =	vld.idx.msk [tilespmem:v15+s12+$0x0], $0xffff  }
0x97: {  	v8 =	vld.idx.msk [tilespmem:v8+s12+$0x0], $0xffff;
	[tilespmem:s22+$0xDF00] =	vst v6;
	v6 =	vor.u32 $0x180, v12  }
0x98: {  	v0 =	vld.idx.msk [tilespmem:v0+s12+$0x0], $0xffff;
	[tilespmem:s23+$0xDF00] =	vst v7  }
0x99: {  	v1 =	vld.idx.msk [tilespmem:v1+s12+$0x0], $0xffff;
	[tilespmem:s0+$0xDF00] =	vst v5  }
0x9a: {  	v2 =	vld.idx.msk [tilespmem:v2+s12+$0x0], $0xffff;
	[tilespmem:s24+$0xDF00] =	vst v9  }
0x9b: {  	v3 =	vld.idx.msk [tilespmem:v3+s12+$0x0], $0xffff;
	[tilespmem:s1+$0xDF00] =	vst v4  }
0x9c: {  	[tilespmem:s21+$0xDF80] =	vst v8;
	v4 =	vld.idx.msk [tilespmem:v6+s12+$0x0], $0xffff  }
0x9d: {  	[tilespmem:s22+$0xDF80] =	vst v0  }
0x9e: {  	[tilespmem:s23+$0xDF80] =	vst v1  }
0x9f: {  	[tilespmem:s0+$0xDF80] =	vst v2  }
0xa0: {  	[tilespmem:s24+$0xDF80] =	vst v3  }
0xa1: {  	[tilespmem:s1+$0xDF80] =	vst v4  }
0xa2: {  	[hbm4b:s6+s10] =	stream.strided.scatter [tilespmem:s16], [sflag:$0x4], $0x2000, s11, s10, $0x38;
	[tilespmem:$0xFE00] =	vst v63  }
0xa3: {  	_ =	swait.ge [sflag:s17], $0x2000  }
0xa4: {  	s21 =	simm.s32 $0x0;
	[sflag:s17] =	ssyncset.done $0x0  }
0xa5: {  	s22 =	sand.u32 $0x7F0, s21;
	[sflag:s17] =	ssyncadd.s32 $0xFFFFE000  }
0xa6: {  	v0 =	vld [tilespmem:s22+$0x1000];
	_ =	sdelay $0x2  }
0xa7: {  	s1 =	simm.s32 $0x10  }
0xa8: {  	s23 =	sand.u32 $0x7F0, s1  }
0xa9: {  	v2 =	vld [tilespmem:s23+$0x1000];
	v1 =	vshll.u32 v0, $0x2  }
0xaa: {  	v0 =	vand.u32 $0x7F, v0;
	v1 =	vand.u32 $0xFFFFFE00, v1  }
0xab: {  	v3 =	vor.u32 v0, v1  }
0xac: {  	s22 =	simm.s32 $0x20  }
0xad: {  	s24 =	sand.u32 $0x7F0, s22  }
0xae: {  	v0 =	vshll.u32 v2, $0x2;
	v1 =	vld [tilespmem:s24+$0x1000]  }
0xaf: {  	v2 =	vand.u32 $0x7F, v2;
	v0 =	vand.u32 $0xFFFFFE00, v0  }
0xb0: {  	v6 =	vor.u32 v2, v0;
	v2 =	vld.idx.msk [tilespmem:v3+s12+$0x0], $0xffff  }
0xb1: {  	s23 =	simm.s32 $0x30;
	v4 =	vor.u32 $0x80, v3  }
0xb2: {  	s25 =	simm.s32 $0x0;
	s26 =	sand.u32 $0x7F0, s23  }
0xb3: {  	s20 =	sand.u32 $0x1E00, s25;
	s0 =	sand.u32 $0x70, s21;
	v5 =	vld [tilespmem:s26+$0x1000];
	v0 =	vshll.u32 v1, $0x2  }
0xb4: {  	s20 =	sor.u32 s0, s20;
	v1 =	vand.u32 $0x7F, v1;
	v0 =	vand.u32 $0xFFFFFE00, v0  }
0xb5: {  	v0 =	vor.u32 v1, v0;
	v7 =	vld.idx.msk [tilespmem:v6+s12+$0x0], $0xffff;
	[tilespmem:s20+$0xBE00] =	vst v2  }
0xb6: {  	s0 =	simm.s32 $0x40;
	v2 =	vld.idx.msk [tilespmem:v4+s12+$0x0], $0xffff;
	v4 =	vor.u32 $0x80, v6  }
0xb7: {  	s30 =	simm.s32 $0x40;
	s31 =	sand.u32 $0x7F0, s0  }
0xb8: {  	s21 =	sand.u32 $0x1E00, s30;
	s1 =	sand.u32 $0x70, s1;
	v9 =	vld [tilespmem:s31+$0x1000];
	v8 =	vor.u32 $0x100, v3;
	v1 =	vshll.u32 v5, $0x2  }
0xb9: {  	s21 =	sor.u32 s1, s21;
	v5 =	vand.u32 $0x7F, v5;
	v1 =	vand.u32 $0xFFFFFE00, v1  }
0xba: {  	s25 =	simm.s32 $0x50;
	v1 =	vor.u32 v5, v1;
	v5 =	vld.idx.msk [tilespmem:v0+s12+$0x0], $0xffff;
	[tilespmem:s21+$0xBE00] =	vst v7  }
0xbb: {  	s26 =	sand.u32 $0x7F0, s25;
	v7 =	vor.u32 $0x80, v0;
	v4 =	vld.idx.msk [tilespmem:v4+s12+$0x0], $0xffff  }
0xbc: {  	v11 =	vld [tilespmem:s26+$0x1000];
	s24 =	simm.s32 $0x80;
	v10 =	vor.u32 $0x100, v6;
	[tilespmem:s20+$0xBE80] =	vst v2  }
0xbd: {  	s22 =	sand.u32 $0x70, s22;
	s1 =	sand.u32 $0x1E00, s24;
	v2 =	vshll.u32 v9, $0x2;
	v8 =	vld.idx.msk [tilespmem:v8+s12+$0x0], $0xffff  }
0xbe: {  	s22 =	sor.u32 s22, s1;
	v3 =	vor.u32 $0x180, v3;
	v9 =	vand.u32 $0x7F, v9;
	v2 =	vand.u32 $0xFFFFFE00, v2  }
0xbf: {  	[tilespmem:s22+$0xBE00] =	vst v5;
	v2 =	vor.u32 v9, v2;
	v9 =	vld.idx.msk [tilespmem:v1+s12+$0x0], $0xffff  }
0xc0: {  	s24 =	simm.s32 $0x60;
	v14 =	vor.u32 $0x80, v1;
	v13 =	vld.idx.msk [tilespmem:v7+s12+$0x0], $0xffff;
	[tilespmem:s21+$0xBE80] =	vst v4  }
0xc1: {  	s30 =	simm.s32 $0xC0;
	s31 =	sand.u32 $0x7F0, s24;
	v15 =	vor.u32 $0x100, v0;
	v4 =	vshll.u32 v11, $0x2;
	v63 =	vld.idx.msk [tilespmem:v10+s12+$0x0], $0xffff  }
0xc2: {  	s23 =	sand.u32 $0x70, s23;
	s1 =	sand.u32 $0x1E00, s30;
	v12 =	vld [tilespmem:s31+$0x1000];
	[tilespmem:s20+$0xBF00] =	vst v8;
	v8 =	vand.u32 $0x7F, v11;
	v4 =	vand.u32 $0xFFFFFE00, v4  }
0xc3: {  	s23 =	sor.u32 s23, s1;
	v3 =	vld.idx.msk [tilespmem:v3+s12+$0x0], $0xffff;
	v4 =	vor.u32 v8, v4;
	v8 =	vor.u32 $0x180, v6  }
0xc4: {  	v11 =	vld.idx.msk [tilespmem:v2+s12+$0x0], $0xffff;
	[tilespmem:s23+$0xBE00] =	vst v9  }
0xc5: {  	s29 =	simm.s32 $0x100;
	v7 =	vor.u32 $0x100, v1;
	[tilespmem:s22+$0xBE80] =	vst v13;
	v10 =	vld.idx.msk [tilespmem:v14+s12+$0x0], $0xffff  }
0xc6: {  	s28 =	sand.u32 $0x70, s25;
	s26 =	sand.u32 $0x70, s0;
	s25 =	sand.u32 $0x70, s24;
	v5 =	vor.u32 $0x100, v2;
	v13 =	vor.u32 $0x80, v2;
	v9 =	vor.u32 $0x100, v4;
	v6 =	vld.idx.msk [tilespmem:v15+s12+$0x0], $0xffff;
	[tilespmem:s21+$0xBF00] =	vst v63  }
.LBB2_6:
0xc7: {  	s24 =	sadd.s32 $0x10, s24  }
0xc8: {  	s0 =	sand.u32 $0x1E00, s29;
	[tilespmem:s20+$0xBF80] =	vst v3;
	v3 =	vld.idx.msk [tilespmem:v8+s12+$0x0], $0xffff;
	s20 =	smov.u32 s21;
	p0 =	slt.u32 s24, $0x7F0  }
.Ltmp2:
0xc9: {  	v8 =	vor.u32 $0x180, v0;
	v0 =	vmovc v1;
	v1 =	vmovc v2;
	v2 =	vmov v4;
	s1 =	sand.u32 $0x70, s24;
	s21 =	sand.u32 $0x7F0, s24;
	v14 =	vshll.u32 v12, $0x2;
	(pc) =	sbr.rel @p0 .LBB2_6-.Ltmp2, $4  }
0xca: {  	v15 =	vand.u32 $0x7F, v12;
	s0 =	sor.u32 s26, s0;
	s26 =	smov.u32 s28;
	v12 =	vld [tilespmem:s21+$0x1000];
	v14 =	vand.u32 $0xFFFFFE00, v14  }
0xcb: {  	s28 =	smov.u32 s25;
	s25 =	smov.u32 s1;
	s21 =	smov.u32 s22;
	[tilespmem:s0+$0xBE00] =	vst v11;
	v11 =	vld.idx.msk [tilespmem:v4+s12+$0x0], $0xffff;
	v4 =	vor.u32 v15, v14  }
0xcc: {  	s22 =	smov.u32 s23;
	v14 =	vor.u32 $0x100, v4;
	[tilespmem:s23+$0xBE80] =	vst v10;
	v10 =	vld.idx.msk [tilespmem:v13+s12+$0x0], $0xffff;
	s23 =	smov.u32 s0  }
0xcd: {  	s29 =	sadd.s32 $0x40, s29;
	v13 =	vor.u32 $0x80, v2;
	[tilespmem:s21+$0xBF00] =	vst v6;
	v6 =	vld.idx.msk [tilespmem:v7+s12+$0x0], $0xffff;
	v7 =	vmovc v5;
	v5 =	vmov v9;
	v9 =	vmov v14  }
0xce: {  	_ = 	snop  }
0xcf: {  	v14 =	vshll.u32 v12, $0x2  }
0xd0: {  	v12 =	vand.u32 $0x7F, v12;
	v14 =	vand.u32 $0xFFFFFE00, v14  }
0xd1: {  	v12 =	vor.u32 v12, v14;
	_ =	sdelay $0x3  }
0xd2: {  	v14 =	vld.idx.msk [tilespmem:v4+s12+$0x0], $0xffff  }
0xd3: {  	v15 =	vor.u32 $0x80, v4;
	v16 =	vld.idx.msk [tilespmem:v12+s12+$0x0], $0xffff  }
0xd4: {  	s0 =	sand.u32 $0x1E00, s29;
	s1 =	sadd.s32 $0x40, s29;
	v17 =	vor.u32 $0x80, v12  }
0xd5: {  	s0 =	sor.u32 s26, s0;
	s24 =	sand.u32 $0x1E00, s1;
	s1 =	sadd.s32 $0x40, s1  }
0xd6: {  	[tilespmem:s0+$0xBE00] =	vst v11;
	s24 =	sor.u32 s28, s24;
	s1 =	sand.u32 $0x1E00, s1  }
0xd7: {  	v11 =	vld.idx.msk [tilespmem:v13+s12+$0x0], $0xffff;
	s1 =	sor.u32 s25, s1;
	[tilespmem:s24+$0xBE00] =	vst v14  }
0xd8: {  	v13 =	vld.idx.msk [tilespmem:v15+s12+$0x0], $0xffff;
	[tilespmem:s1+$0xBE00] =	vst v16  }
0xd9: {  	v14 =	vld.idx.msk [tilespmem:v17+s12+$0x0], $0xffff  }
0xda: {  	v15 =	vor.u32 $0x100, v12  }
0xdb: {  	[tilespmem:s23+$0xBE80] =	vst v10  }
0xdc: {  	v0 =	vor.u32 $0x180, v0;
	v7 =	vld.idx.msk [tilespmem:v7+s12+$0x0], $0xffff;
	[tilespmem:s0+$0xBE80] =	vst v11  }
0xdd: {  	v1 =	vor.u32 $0x180, v1;
	v5 =	vld.idx.msk [tilespmem:v5+s12+$0x0], $0xffff;
	[tilespmem:s24+$0xBE80] =	vst v13  }
0xde: {  	v2 =	vor.u32 $0x180, v2;
	v9 =	vld.idx.msk [tilespmem:v9+s12+$0x0], $0xffff;
	[tilespmem:s1+$0xBE80] =	vst v14  }
0xdf: {  	[tilespmem:s20+$0xBF80] =	vst v3;
	v3 =	vor.u32 $0x180, v4;
	v4 =	vld.idx.msk [tilespmem:v15+s12+$0x0], $0xffff  }
0xe0: {  	v8 =	vld.idx.msk [tilespmem:v8+s12+$0x0], $0xffff;
	[tilespmem:s22+$0xBF00] =	vst v6;
	v6 =	vor.u32 $0x180, v12  }
0xe1: {  	v0 =	vld.idx.msk [tilespmem:v0+s12+$0x0], $0xffff;
	[tilespmem:s23+$0xBF00] =	vst v7  }
0xe2: {  	v1 =	vld.idx.msk [tilespmem:v1+s12+$0x0], $0xffff;
	[tilespmem:s0+$0xBF00] =	vst v5  }
0xe3: {  	v2 =	vld.idx.msk [tilespmem:v2+s12+$0x0], $0xffff;
	[tilespmem:s24+$0xBF00] =	vst v9  }
0xe4: {  	v3 =	vld.idx.msk [tilespmem:v3+s12+$0x0], $0xffff;
	[tilespmem:s1+$0xBF00] =	vst v4  }
0xe5: {  	[tilespmem:s21+$0xBF80] =	vst v8;
	v4 =	vld.idx.msk [tilespmem:v6+s12+$0x0], $0xffff  }
0xe6: {  	[tilespmem:s22+$0xBF80] =	vst v0  }
0xe7: {  	[tilespmem:s23+$0xBF80] =	vst v1  }
0xe8: {  	[tilespmem:s0+$0xBF80] =	vst v2  }
0xe9: {  	[tilespmem:s24+$0xBF80] =	vst v3  }
0xea: {  	[tilespmem:s1+$0xBF80] =	vst v4  }
0xeb: {  	[hbm4b:s7+s10] =	stream.strided.scatter [tilespmem:s15], [sflag:$0x3], $0x2000, s11, s10, $0x38;
	[tilespmem:$0xFE00] =	vst v63  }
0xec: {  	_ =	swait.ge [sflag:s18], $0x2000  }
0xed: {  	s21 =	simm.s32 $0x0;
	[sflag:s18] =	ssyncset.done $0x0  }
0xee: {  	s22 =	sand.u32 $0x7F0, s21;
	[sflag:s18] =	ssyncadd.s32 $0xFFFFE000  }
0xef: {  	v0 =	vld [tilespmem:s22+$0x1800];
	_ =	sdelay $0x2  }
0xf0: {  	s1 =	simm.s32 $0x10  }
0xf1: {  	s23 =	sand.u32 $0x7F0, s1  }
0xf2: {  	v2 =	vld [tilespmem:s23+$0x1800];
	v1 =	vshll.u32 v0, $0x2  }
0xf3: {  	v0 =	vand.u32 $0x7F, v0;
	v1 =	vand.u32 $0xFFFFFE00, v1  }
0xf4: {  	v3 =	vor.u32 v0, v1  }
0xf5: {  	s22 =	simm.s32 $0x20  }
0xf6: {  	s24 =	sand.u32 $0x7F0, s22  }
0xf7: {  	v0 =	vshll.u32 v2, $0x2;
	v1 =	vld [tilespmem:s24+$0x1800]  }
0xf8: {  	v2 =	vand.u32 $0x7F, v2;
	v0 =	vand.u32 $0xFFFFFE00, v0  }
0xf9: {  	v7 =	vor.u32 v2, v0;
	v2 =	vld.idx.msk [tilespmem:v3+s12+$0x0], $0xffff  }
0xfa: {  	s23 =	simm.s32 $0x30;
	v4 =	vor.u32 $0x80, v3  }
0xfb: {  	s25 =	simm.s32 $0x0;
	s26 =	sand.u32 $0x7F0, s23  }
0xfc: {  	s20 =	sand.u32 $0x1E00, s25;
	s0 =	sand.u32 $0x70, s21;
	v5 =	vld [tilespmem:s26+$0x1800];
	v0 =	vshll.u32 v1, $0x2  }
0xfd: {  	s20 =	sor.u32 s0, s20;
	v1 =	vand.u32 $0x7F, v1;
	v0 =	vand.u32 $0xFFFFFE00, v0  }
0xfe: {  	v0 =	vor.u32 v1, v0;
	v6 =	vld.idx.msk [tilespmem:v7+s12+$0x0], $0xffff;
	[tilespmem:s20+$0xDE00] =	vst v2  }
0xff: {  	s0 =	simm.s32 $0x40;
	v2 =	vld.idx.msk [tilespmem:v4+s12+$0x0], $0xffff;
	v4 =	vor.u32 $0x80, v7  }
0x100: {  	s30 =	simm.s32 $0x40;
	s31 =	sand.u32 $0x7F0, s0  }
0x101: {  	s21 =	sand.u32 $0x1E00, s30;
	s1 =	sand.u32 $0x70, s1;
	v9 =	vld [tilespmem:s31+$0x1800];
	v8 =	vor.u32 $0x100, v3;
	v1 =	vshll.u32 v5, $0x2  }
0x102: {  	s21 =	sor.u32 s1, s21;
	v5 =	vand.u32 $0x7F, v5;
	v1 =	vand.u32 $0xFFFFFE00, v1  }
0x103: {  	s25 =	simm.s32 $0x50;
	v1 =	vor.u32 v5, v1;
	v5 =	vld.idx.msk [tilespmem:v0+s12+$0x0], $0xffff;
	[tilespmem:s21+$0xDE00] =	vst v6  }
0x104: {  	s26 =	sand.u32 $0x7F0, s25;
	v6 =	vor.u32 $0x80, v0;
	v4 =	vld.idx.msk [tilespmem:v4+s12+$0x0], $0xffff  }
0x105: {  	v11 =	vld [tilespmem:s26+$0x1800];
	s24 =	simm.s32 $0x80;
	v10 =	vor.u32 $0x100, v7;
	[tilespmem:s20+$0xDE80] =	vst v2  }
0x106: {  	s22 =	sand.u32 $0x70, s22;
	s1 =	sand.u32 $0x1E00, s24;
	v2 =	vshll.u32 v9, $0x2;
	v8 =	vld.idx.msk [tilespmem:v8+s12+$0x0], $0xffff  }
0x107: {  	s22 =	sor.u32 s22, s1;
	v3 =	vor.u32 $0x180, v3;
	v9 =	vand.u32 $0x7F, v9;
	v2 =	vand.u32 $0xFFFFFE00, v2  }
0x108: {  	[tilespmem:s22+$0xDE00] =	vst v5;
	v2 =	vor.u32 v9, v2;
	v9 =	vld.idx.msk [tilespmem:v1+s12+$0x0], $0xffff  }
0x109: {  	s24 =	simm.s32 $0x60;
	v14 =	vor.u32 $0x80, v1;
	v13 =	vld.idx.msk [tilespmem:v6+s12+$0x0], $0xffff;
	[tilespmem:s21+$0xDE80] =	vst v4  }
0x10a: {  	s30 =	simm.s32 $0xC0;
	s31 =	sand.u32 $0x7F0, s24;
	v15 =	vor.u32 $0x100, v0;
	v4 =	vshll.u32 v11, $0x2;
	v63 =	vld.idx.msk [tilespmem:v10+s12+$0x0], $0xffff  }
0x10b: {  	s23 =	sand.u32 $0x70, s23;
	s1 =	sand.u32 $0x1E00, s30;
	v12 =	vld [tilespmem:s31+$0x1800];
	[tilespmem:s20+$0xDF00] =	vst v8;
	v8 =	vand.u32 $0x7F, v11;
	v4 =	vand.u32 $0xFFFFFE00, v4  }
0x10c: {  	s23 =	sor.u32 s23, s1;
	v3 =	vld.idx.msk [tilespmem:v3+s12+$0x0], $0xffff;
	v4 =	vor.u32 v8, v4;
	v8 =	vor.u32 $0x180, v7  }
0x10d: {  	v11 =	vld.idx.msk [tilespmem:v2+s12+$0x0], $0xffff;
	[tilespmem:s23+$0xDE00] =	vst v9  }
0x10e: {  	s29 =	simm.s32 $0x100;
	v6 =	vor.u32 $0x100, v1;
	[tilespmem:s22+$0xDE80] =	vst v13;
	v10 =	vld.idx.msk [tilespmem:v14+s12+$0x0], $0xffff  }
0x10f: {  	s28 =	sand.u32 $0x70, s25;
	s26 =	sand.u32 $0x70, s0;
	s25 =	sand.u32 $0x70, s24;
	v5 =	vor.u32 $0x100, v2;
	v13 =	vor.u32 $0x80, v2;
	v9 =	vor.u32 $0x100, v4;
	v7 =	vld.idx.msk [tilespmem:v15+s12+$0x0], $0xffff;
	[tilespmem:s21+$0xDF00] =	vst v63  }
.LBB2_8:
0x110: {  	s24 =	sadd.s32 $0x10, s24  }
0x111: {  	s0 =	sand.u32 $0x1E00, s29;
	[tilespmem:s20+$0xDF80] =	vst v3;
	v3 =	vld.idx.msk [tilespmem:v8+s12+$0x0], $0xffff;
	s20 =	smov.u32 s21;
	p0 =	slt.u32 s24, $0x7F0  }
.Ltmp3:
0x112: {  	v8 =	vor.u32 $0x180, v0;
	v0 =	vmovc v1;
	v1 =	vmovc v2;
	v2 =	vmov v4;
	s1 =	sand.u32 $0x70, s24;
	s21 =	sand.u32 $0x7F0, s24;
	v14 =	vshll.u32 v12, $0x2;
	(pc) =	sbr.rel @p0 .LBB2_8-.Ltmp3, $4  }
0x113: {  	v15 =	vand.u32 $0x7F, v12;
	s0 =	sor.u32 s26, s0;
	s26 =	smov.u32 s28;
	v12 =	vld [tilespmem:s21+$0x1800];
	v14 =	vand.u32 $0xFFFFFE00, v14  }
0x114: {  	s28 =	smov.u32 s25;
	s25 =	smov.u32 s1;
	s21 =	smov.u32 s22;
	[tilespmem:s0+$0xDE00] =	vst v11;
	v11 =	vld.idx.msk [tilespmem:v4+s12+$0x0], $0xffff;
	v4 =	vor.u32 v15, v14  }
0x115: {  	s22 =	smov.u32 s23;
	v14 =	vor.u32 $0x100, v4;
	[tilespmem:s23+$0xDE80] =	vst v10;
	v10 =	vld.idx.msk [tilespmem:v13+s12+$0x0], $0xffff;
	s23 =	smov.u32 s0  }
0x116: {  	s29 =	sadd.s32 $0x40, s29;
	v13 =	vor.u32 $0x80, v2;
	[tilespmem:s21+$0xDF00] =	vst v7;
	v7 =	vld.idx.msk [tilespmem:v6+s12+$0x0], $0xffff;
	v6 =	vmovc v5;
	v5 =	vmov v9;
	v9 =	vmov v14  }
0x117: {  	_ = 	snop  }
0x118: {  	v14 =	vshll.u32 v12, $0x2  }
0x119: {  	v56 =	vand.u32 $0x7F, v12;
	v14 =	vand.u32 $0xFFFFFE00, v14  }
0x11a: {  	v12 =	vor.u32 v56, v14;
	_ =	sdelay $0x3  }
0x11b: {  	v57 =	vld.idx.msk [tilespmem:v4+s12+$0x0], $0xffff  }
0x11c: {  	v15 =	vor.u32 $0x80, v4;
	v16 =	vld.idx.msk [tilespmem:v12+s12+$0x0], $0xffff  }
0x11d: {  	s0 =	sand.u32 $0x1E00, s29;
	s1 =	sadd.s32 $0x40, s29;
	v17 =	vor.u32 $0x80, v12  }
0x11e: {  	s0 =	sor.u32 s26, s0;
	s24 =	sand.u32 $0x1E00, s1;
	s1 =	sadd.s32 $0x40, s1  }
0x11f: {  	[tilespmem:s0+$0xDE00] =	vst v11;
	s24 =	sor.u32 s28, s24;
	s1 =	sand.u32 $0x1E00, s1  }
0x120: {  	v11 =	vld.idx.msk [tilespmem:v13+s12+$0x0], $0xffff;
	s1 =	sor.u32 s25, s1;
	[tilespmem:s24+$0xDE00] =	vst v57  }
0x121: {  	v58 =	vld.idx.msk [tilespmem:v15+s12+$0x0], $0xffff;
	[tilespmem:s1+$0xDE00] =	vst v16  }
0x122: {  	v59 =	vld.idx.msk [tilespmem:v17+s12+$0x0], $0xffff  }
0x123: {  	v60 =	vor.u32 $0x100, v12  }
0x124: {  	[tilespmem:s23+$0xDE80] =	vst v10  }
0x125: {  	v0 =	vor.u32 $0x180, v0;
	v6 =	vld.idx.msk [tilespmem:v6+s12+$0x0], $0xffff;
	[tilespmem:s0+$0xDE80] =	vst v11  }
0x126: {  	v1 =	vor.u32 $0x180, v1;
	v5 =	vld.idx.msk [tilespmem:v5+s12+$0x0], $0xffff;
	[tilespmem:s24+$0xDE80] =	vst v58  }
0x127: {  	v2 =	vor.u32 $0x180, v2;
	v9 =	vld.idx.msk [tilespmem:v9+s12+$0x0], $0xffff;
	[tilespmem:s1+$0xDE80] =	vst v59  }
0x128: {  	[tilespmem:s20+$0xDF80] =	vst v3;
	v61 =	vor.u32 $0x180, v4;
	v62 =	vld.idx.msk [tilespmem:v60+s12+$0x0], $0xffff  }
0x129: {  	v8 =	vld.idx.msk [tilespmem:v8+s12+$0x0], $0xffff;
	[tilespmem:s22+$0xDF00] =	vst v7;
	v63 =	vor.u32 $0x180, v12  }
0x12a: {  	v0 =	vld.idx.msk [tilespmem:v0+s12+$0x0], $0xffff;
	[tilespmem:s23+$0xDF00] =	vst v6  }
0x12b: {  	v1 =	vld.idx.msk [tilespmem:v1+s12+$0x0], $0xffff;
	[tilespmem:s0+$0xDF00] =	vst v5  }
0x12c: {  	v2 =	vld.idx.msk [tilespmem:v2+s12+$0x0], $0xffff;
	[tilespmem:s24+$0xDF00] =	vst v9  }
0x12d: {  	v3 =	vld.idx.msk [tilespmem:v61+s12+$0x0], $0xffff;
	[tilespmem:s1+$0xDF00] =	vst v62  }
0x12e: {  	[tilespmem:s21+$0xDF80] =	vst v8;
	v4 =	vld.idx.msk [tilespmem:v63+s12+$0x0], $0xffff  }
0x12f: {  	[tilespmem:s22+$0xDF80] =	vst v0  }
0x130: {  	[tilespmem:s23+$0xDF80] =	vst v1  }
0x131: {  	[tilespmem:s0+$0xDF80] =	vst v2  }
0x132: {  	[tilespmem:s24+$0xDF80] =	vst v3  }
0x133: {  	s19 =	sadd.s32 $0x1, s19;
	[tilespmem:s1+$0xDF80] =	vst v4  }
0x134: {  	[hbm4b:s8+s10] =	stream.strided.scatter [tilespmem:s16], [sflag:$0x4], $0x2000, s11, s10, $0x38;
	[tilespmem:$0xFE00] =	vst v63  }
0x135: {  	p0 =	sne.s32 s19, s9;
	_ =	swait.ge [sflag:s17], $0x2000  }
.Ltmp4:
0x136: {  	[sflag:s17] =	ssyncset.done $0x0;
	(pc) =	sbr.rel @p0 .LBB2_1-.Ltmp4, $4  }
0x137: {  	[sflag:s17] =	ssyncadd.s32 $0xFFFFE000  }
0x138: {  	_ =	swait.ge [sflag:s18], $0x2000  }
0x139: {  	[sflag:s18] =	ssyncset.done $0x0  }
0x13a: {  	[sflag:s18] =	ssyncadd.s32 $0xFFFFE000  }
0x13b: {  	_ =	sfence.sel $0x180000  }
0x13c: {  	[bflag:$0x0] =	sbarrier.arrive $0xFFFF  }
0x13d: {  	_ =	strace $0x90000047  }
0x13e: {  	s0 =	stileid.u32;
	[bflag:$0x2] =	sbarrier.arrive $0xFFFF  }
0x13f: {  	p0 =	sne.s32 s0, $0x0;
	s0 =	rddreg [dreg:$0x3]  }
0x140: {  	s0 =	sadd.s32 @!p0 $0x100000, s0  }
0x141: {  	[sflag:s0] =	ssyncadd.tile.s32 @!p0 $0x1;
	_ =	shalt  }
.Lfunc_end2:
_tile_overlayer_lowered:
.L_overlay_start_2:
0x142: {  	(tag) =	ssettag $0x2  }
0x143: {  	s0 =	rddreg [dreg:$0x0];
	s2 =	stileid.u32  }
0x144: {  	s1 =	rddreg [dreg:$0x1];
	p0 =	sne.s32 s2, $0x0  }
0x145: {  	s3 =	rddreg [dreg:$0x2];
	[bflag:$0x3] =	sbarrier.arrive $0xFFFF;
	s2 =	simm.s32 @!p0 $0x1C05  }
0x146: {  	[timem:s3], [sflag:s2] =	dma.local @!p0 [hbm:s0], s1  }
0x147: {  	s0 =	simm.s32 @!p0 $0x5  }
0x148: {  	_ =	swait.ge @!p0 [sflag:s0], s1  }
0x149: {  	s1 =	ssub.s32 @!p0 $0x0, s1;
	[sflag:s0] =	ssyncset.done @!p0 $0x0  }
0x14a: {  	[sflag:s0] =	ssyncadd.s32 @!p0 s1  }
0x14b: {  	[bflag:$0x3] =	sbarrier.arrive $0xFFFF  }
0x14c: {  	_ =	shalt  }

</sc_bundles>
